<compile_context>
chip_gen: v7x
topology: tpu7x:2x2x1
jax: 0.10.2.dev20260603
libtpu: 0.0.44.dev20260713+nightly
codegen_flags: <defaults>
</compile_context>

<pallas_src>
import jax
import jax.numpy as jnp
import numpy as np
from jax import lax
from jax.experimental import pallas as pl
from jax.experimental.pallas import tpu as pltpu
from jax.experimental.pallas import tpu_sc as plsc

_KS = 32
_ST = 16
_H = 2
_D = 128
_SEQ = [1024, 3072, 2048, 2048, 512, 3584, 1536, 2560]
_TOT = int(np.sum(_SEQ))
_NB = _TOT // _ST
_NCH = [(s - _KS) // _ST + 1 for s in _SEQ]
_CUM = np.concatenate([[0], np.cumsum(_NCH)]).astype(np.int32)
_NC = int(_CUM[-1])
_BOUND = [int(v) for v in _CUM[1:-1]]
_SEQ_BLK = (np.concatenate([[0], np.cumsum(_SEQ)])[:-1] // _ST).astype(int)


def _a_static(c):
    return c + sum(1 for b in _BOUND if c >= b)



_C0 = 768
_TC_NBLK = _a_static(_C0 - 1) + 2
_TC_NBLK_PAD = 776
_TC_GRID = 4
_TC_BLKS = _TC_NBLK_PAD // _TC_GRID
_TC_ROWS = _TC_BLKS * _ST


def _tc_body(x_ref, out_ref, s_ref):
    g = pl.program_id(0)
    x = x_ref[...].reshape(_TC_BLKS, _ST, _H, _D)
    s_ref[pl.ds(g * _TC_BLKS, _TC_BLKS), :, :] = jnp.sum(x, axis=1)

    @pl.when(g == _TC_GRID - 1)
    def _combine():
        s = s_ref[...]
        t = (s[: _TC_NBLK - 1] + s[1:_TC_NBLK]) * (1.0 / _KS)
        for i in range(len(_SEQ)):
            o0, o1 = int(_CUM[i]), min(int(_CUM[i + 1]), _C0)
            if o0 >= _C0:
                break
            sb = int(_SEQ_BLK[i])
            out_ref[o0:o1] = t[sb:sb + (o1 - o0)]


def _tc_part(k):
    return pl.pallas_call(
        _tc_body,
        grid=(_TC_GRID,),
        in_specs=[pl.BlockSpec((_TC_ROWS, _H, _D), lambda g: (g, 0, 0))],
        out_specs=pl.BlockSpec((_C0, _H, _D), lambda g: (0, 0, 0)),
        out_shape=jax.ShapeDtypeStruct((_C0, _H, _D), jnp.float32),
        scratch_shapes=[pltpu.VMEM((_TC_NBLK_PAD, _H, _D), jnp.float32)],
    )(k)



_NW = 32
_PC = 8
_PB = _PC + 2
_PR = _PB * _ST
_LG = (_H * _D) // 16
_NC_SC = _NC - _C0


def _chunk_to_block(c):
    a = c
    for b in _BOUND:
        a = a + (c >= b).astype(jnp.int32)
    return a


def _sc_body(k_hbm, out_hbm, buf, s_ref, obuf, sem):
    w = lax.axis_index("s") * 2 + lax.axis_index("c")
    c0 = _C0 + w * _PC
    base = jnp.minimum(_chunk_to_block(c0), _NB - _PB)

    @pl.when(c0 < _NC)
    def _prime():
        pltpu.async_copy(k_hbm.at[pl.ds(base * _ST, _PR)], buf, sem)

    @pl.when(c0 < _NC)
    def _compute():
        pltpu.make_async_copy(k_hbm.at[pl.ds(0, _PR)], buf, sem).wait()

        def blk(b, _):
            def rows(t, accs):
                r = b * _ST + 2 * t
                new = []
                for i in range(_LG):
                    h, v = divmod(i, _LG // _H)
                    x0 = buf[r, h, pl.ds(16 * v, 16)]
                    x1 = buf[r + 1, h, pl.ds(16 * v, 16)]
                    new.append(accs[i] + (x0 + x1))
                return tuple(new)

            accs = lax.fori_loop(
                0, _ST // 2, rows,
                tuple(jnp.zeros((16,), jnp.float32) for _ in range(_LG)))
            for i in range(_LG):
                h, v = divmod(i, _LG // _H)
                s_ref[b, h, pl.ds(16 * v, 16)] = accs[i]
            return 0

        lax.fori_loop(0, _PB, blk, 0)

        def comb(j, _):
            d = _chunk_to_block(c0 + j) - base
            for i in range(_LG):
                h, v = divmod(i, _LG // _H)
                sl = pl.ds(16 * v, 16)
                obuf[j, h, sl] = (s_ref[d, h, sl] + s_ref[d + 1, h, sl]) \
                    * (1.0 / _KS)
            return 0

        lax.fori_loop(0, _PC, comb, 0)
        pltpu.sync_copy(obuf, out_hbm.at[pl.ds(c0 - _C0, _PC)])


def _sc_part(k):
    mesh = plsc.VectorSubcoreMesh(core_axis_name="c", subcore_axis_name="s")
    f = pl.kernel(
        _sc_body,
        mesh=mesh,
        out_type=jax.ShapeDtypeStruct((_NC_SC, _H, _D), jnp.float32),
        scratch_types=[
            pltpu.VMEM((_PR, _H, _D), jnp.float32),
            pltpu.VMEM((_PB, _H, _D), jnp.float32),
            pltpu.VMEM((_PC, _H, _D), jnp.float32),
            pltpu.SemaphoreType.DMA,
        ],
    )
    return f(k)


def kernel(k, cu_seqlens):
    del cu_seqlens
    out_sc = _sc_part(k)
    out_tc = _tc_part(k)
    compressed = jnp.concatenate([out_tc, out_sc], axis=0)
    return (compressed, jnp.asarray(_CUM, dtype=jnp.int32))

# --- scband reference (transcript-rebuilt; emitter-appended) ---
"""Pipeline reference for scband-compress-k-46909632806934 (READ-ONLY COPY).

The authoritative reference and input builder live on the scoring server;
editing this copy changes nothing except your own understanding.
"""

import jax, jax.numpy as jnp
import numpy as np

KERNEL_SIZE = 32
KERNEL_STRIDE = 16
HEAD_NUM_K = 2
HEAD_DIM = 128
SEQ_LENS = [1024, 3072, 2048, 2048, 512, 3584, 1536, 2560]  # sums to 16384 = batch*max_seqlen/2


def setup_inputs(seed: int = 0) -> dict:
    key = jax.random.key(seed)
    total_tokens = int(np.sum(SEQ_LENS))
    k = jax.random.normal(key, (total_tokens, HEAD_NUM_K, HEAD_DIM), dtype=jnp.float32)
    cu_seqlens = jnp.asarray(np.concatenate([[0], np.cumsum(SEQ_LENS)]), dtype=jnp.int32)
    return {"k": k, "cu_seqlens": cu_seqlens}


def _calc_chunks_with_stride(cu_seqlens, kernel_size, kernel_stride):
    batch_sizes = cu_seqlens[1:] - cu_seqlens[:-1]
    batch_sizes_static = np.asarray(SEQ_LENS)
    max_seq_len = int(np.max(batch_sizes_static))
    max_num_chunks_per_seq = max(0, (max_seq_len - kernel_size) // kernel_stride + 1)
    chunk_start_offsets = jnp.arange(0, max_num_chunks_per_seq * kernel_stride, kernel_stride, dtype=cu_seqlens.dtype)
    seq_starts = cu_seqlens[:-1]
    chunk_start_in_seq = seq_starts[:, None] + chunk_start_offsets[None, :]
    chunk_end_in_seq = chunk_start_in_seq + kernel_size
    valid_chunk_mask = chunk_end_in_seq <= (seq_starts + batch_sizes)[:, None]
    chunk_start_offsets_static = np.arange(0, max_num_chunks_per_seq * kernel_stride, kernel_stride)
    valid_chunk_mask_static = (chunk_start_offsets_static[None, :] + kernel_size) <= batch_sizes_static[:, None]
    valid_chunk_starts = chunk_start_in_seq[valid_chunk_mask_static]
    chunk_indices = jnp.arange(0, kernel_size, dtype=cu_seqlens.dtype)[None, :]
    filtered_indices = (valid_chunk_starts[:, None] + chunk_indices).reshape(-1)
    num_filtered_chunks_per_batch = valid_chunk_mask.sum(axis=1)
    cu_seqlens_compressed = jnp.concatenate([
        jnp.zeros((1,), dtype=jnp.int32),
        jnp.cumsum(num_filtered_chunks_per_batch).astype(jnp.int32),
    ])
    return filtered_indices, cu_seqlens_compressed


def reference(k, cu_seqlens):
    filtered_k_indices, cu_seqlens_compressed = _calc_chunks_with_stride(cu_seqlens, KERNEL_SIZE, KERNEL_STRIDE)
    filtered_k = jnp.take(k, filtered_k_indices, axis=0)
    filtered_k = filtered_k.reshape(filtered_k.shape[0] // KERNEL_SIZE, KERNEL_SIZE, HEAD_NUM_K, HEAD_DIM)
    compressed_k = filtered_k.mean(axis=1)
    return (compressed_k, cu_seqlens_compressed)

if __name__ == "__main__":
    import jax
    _d = setup_inputs()
    print(jax.jit(kernel)(*tuple(_d.values())))

</pallas_src>

<mosaic_0001>
#map = affine_map<(d0, d1) -> (0, 0, 0)>
module attributes {stable_mosaic.version = 14 : i64} {
  func.func @_sc_body(%arg0: i32, %arg1: i32, %arg2: memref<16384x2x128xf32, #tpu.memory_space<hbm>>, %arg3: memref<248x2x128xf32, #tpu.memory_space<hbm>>, %arg4: memref<160x2x128xf32, #tpu.memory_space<vmem>>, %arg5: memref<10x2x128xf32, #tpu.memory_space<vmem>>, %arg6: memref<8x2x128xf32, #tpu.memory_space<vmem>>, %arg7: memref<!tpu.dma_semaphore, #tpu.memory_space<semaphore_mem>>) attributes {dimension_semantics = [#tpu.dimension_semantics<core_parallel>, #tpu.dimension_semantics<subcore_parallel>], iteration_bounds = array<i64: 2, 16>, scalar_prefetch = 0 : i64, scratch_operands = 4 : i64, tpu.core_type = #tpu.core_type<sc_vector_subcore>, window_params = [{transform_indices = #map}, {transform_indices = #map}]} {
    %mul3A = arith.constant 2 : i32
    %mul3A_0 = arith.muli %arg1, %mul3A : i32
    %add3A = arith.addi %mul3A_0, %arg0 : i32
    %mul3A_1 = arith.constant 8 : i32
    %mul3A_2 = arith.muli %add3A, %mul3A_1 : i32
    %add3A_3 = arith.constant 768 : i32
    %add3A_4 = arith.addi %add3A_3, %mul3A_2 : i32
    %ge3A = arith.constant 63 : i32
    %ge3A_5 = arith.cmpi sge, %add3A_4, %ge3A : i32
    %convert_element_type3A = arith.extui %ge3A_5 : i1 to i32
    %add3A_6 = arith.addi %add3A_4, %convert_element_type3A : i32
    %ge3A_7 = arith.constant 254 : i32
    %ge3A_8 = arith.cmpi sge, %add3A_4, %ge3A_7 : i32
    %convert_element_type3A_9 = arith.extui %ge3A_8 : i1 to i32
    %add3A_10 = arith.addi %add3A_6, %convert_element_type3A_9 : i32
    %ge3A_11 = arith.constant 381 : i32
    %ge3A_12 = arith.cmpi sge, %add3A_4, %ge3A_11 : i32
    %convert_element_type3A_13 = arith.extui %ge3A_12 : i1 to i32
    %add3A_14 = arith.addi %add3A_10, %convert_element_type3A_13 : i32
    %ge3A_15 = arith.constant 508 : i32
    %ge3A_16 = arith.cmpi sge, %add3A_4, %ge3A_15 : i32
    %convert_element_type3A_17 = arith.extui %ge3A_16 : i1 to i32
    %add3A_18 = arith.addi %add3A_14, %convert_element_type3A_17 : i32
    %ge3A_19 = arith.constant 539 : i32
    %ge3A_20 = arith.cmpi sge, %add3A_4, %ge3A_19 : i32
    %convert_element_type3A_21 = arith.extui %ge3A_20 : i1 to i32
    %add3A_22 = arith.addi %add3A_18, %convert_element_type3A_21 : i32
    %ge3A_23 = arith.constant 762 : i32
    %ge3A_24 = arith.cmpi sge, %add3A_4, %ge3A_23 : i32
    %convert_element_type3A_25 = arith.extui %ge3A_24 : i1 to i32
    %add3A_26 = arith.addi %add3A_22, %convert_element_type3A_25 : i32
    %ge3A_27 = arith.constant 857 : i32
    %ge3A_28 = arith.cmpi sge, %add3A_4, %ge3A_27 : i32
    %convert_element_type3A_29 = arith.extui %ge3A_28 : i1 to i32
    %add3A_30 = arith.addi %add3A_26, %convert_element_type3A_29 : i32
    %min3A = arith.constant 1014 : i32
    %min3A_31 = arith.minsi %add3A_30, %min3A : i32
    %lt3A = arith.constant 1016 : i32
    %lt3A_32 = arith.cmpi slt, %add3A_4, %lt3A : i32
    %convert_element_type3A_33 = arith.extui %lt3A_32 : i1 to i32
    %cond3A = arith.constant 0 : i32
    %cond3A_34 = arith.cmpi ne, %convert_element_type3A_33, %cond3A : i32
    scf.if %cond3A_34 {
      %mul3A_40 = arith.constant 16 : i32
      %mul3A_41 = arith.muli %min3A_31, %mul3A_40 : i32
      %dma_start3A = arith.constant 0 : i32
      %dma_start3A_42 = arith.constant 0 : i32
      %dma_start3A_43 = tpu.memref_slice %arg2[%mul3A_41, %dma_start3A, %dma_start3A_42] : memref<16384x2x128xf32, #tpu.memory_space<hbm>> -> memref<160x2x128xf32, #tpu.memory_space<hbm>>
      %dma_start3A_44 = arith.constant 0 : i32
      %dma_start3A_45 = arith.constant 0 : i32
      %dma_start3A_46 = tpu.memref_slice %arg2[%mul3A_41, %dma_start3A_44, %dma_start3A_45] : memref<16384x2x128xf32, #tpu.memory_space<hbm>> -> memref<160x2x128xf32, #tpu.memory_space<hbm>>
      tpu.enqueue_dma source(%dma_start3A_46 : memref<160x2x128xf32, #tpu.memory_space<hbm>>) target(%arg4 : memref<160x2x128xf32, #tpu.memory_space<vmem>>) target_semaphore(%arg7 : memref<!tpu.dma_semaphore, #tpu.memory_space<semaphore_mem>>)
    } else {
    }
    %lt3A_35 = arith.constant 1016 : i32
    %lt3A_36 = arith.cmpi slt, %add3A_4, %lt3A_35 : i32
    %convert_element_type3A_37 = arith.extui %lt3A_36 : i1 to i32
    %cond3A_38 = arith.constant 0 : i32
    %cond3A_39 = arith.cmpi ne, %convert_element_type3A_37, %cond3A_38 : i32
    scf.if %cond3A_39 {
      %dma_wait3A = arith.constant 0 : i32
      %dma_wait3A_40 = arith.constant 0 : i32
      %dma_wait3A_41 = arith.constant 0 : i32
      %dma_wait3A_42 = tpu.memref_slice %arg2[%dma_wait3A, %dma_wait3A_40, %dma_wait3A_41] : memref<16384x2x128xf32, #tpu.memory_space<hbm>> -> memref<160x2x128xf32, #tpu.memory_space<hbm>>
      %dma_wait3A_43 = arith.constant 0 : i32
      %dma_wait3A_44 = arith.constant 0 : i32
      %dma_wait3A_45 = arith.constant 0 : i32
      %dma_wait3A_46 = tpu.memref_slice %arg2[%dma_wait3A_43, %dma_wait3A_44, %dma_wait3A_45] : memref<16384x2x128xf32, #tpu.memory_space<hbm>> -> memref<160x2x128xf32, #tpu.memory_space<hbm>>
      tpu.wait_dma2 semaphore(%arg7 : memref<!tpu.dma_semaphore, #tpu.memory_space<semaphore_mem>>) src(%dma_wait3A_46 : memref<160x2x128xf32, #tpu.memory_space<hbm>>) dst(%arg4 : memref<160x2x128xf32, #tpu.memory_space<vmem>>)
      %scan3A = arith.constant 0 : i32
      %scan3A_47 = arith.constant 0 : i32
      %scan3A_48 = arith.constant 10 : i32
      %scan3A_49 = arith.addi %scan3A_47, %scan3A_48 : i32
      %scan3A_50 = arith.constant 1 : i32
      %scan3A_51 = scf.for %scan3A_61 = %scan3A_47 to %scan3A_49 step %scan3A_50 iter_args(%scan3A_62 = %scan3A) -> (i32)  : i32 {
        %broadcast_in_dim3A = arith.constant 0.000000e+00 : f32
        %broadcast_in_dim3A_63 = vector.broadcast %broadcast_in_dim3A : f32 to vector<16xf32>
        %broadcast_in_dim3A_64 = arith.constant 0.000000e+00 : f32
        %broadcast_in_dim3A_65 = vector.broadcast %broadcast_in_dim3A_64 : f32 to vector<16xf32>
        %broadcast_in_dim3A_66 = arith.constant 0.000000e+00 : f32
        %broadcast_in_dim3A_67 = vector.broadcast %broadcast_in_dim3A_66 : f32 to vector<16xf32>
        %broadcast_in_dim3A_68 = arith.constant 0.000000e+00 : f32
        %broadcast_in_dim3A_69 = vector.broadcast %broadcast_in_dim3A_68 : f32 to vector<16xf32>
        %broadcast_in_dim3A_70 = arith.constant 0.000000e+00 : f32
        %broadcast_in_dim3A_71 = vector.broadcast %broadcast_in_dim3A_70 : f32 to vector<16xf32>
        %broadcast_in_dim3A_72 = arith.constant 0.000000e+00 : f32
        %broadcast_in_dim3A_73 = vector.broadcast %broadcast_in_dim3A_72 : f32 to vector<16xf32>
        %broadcast_in_dim3A_74 = arith.constant 0.000000e+00 : f32
        %broadcast_in_dim3A_75 = vector.broadcast %broadcast_in_dim3A_74 : f32 to vector<16xf32>
        %broadcast_in_dim3A_76 = arith.constant 0.000000e+00 : f32
        %broadcast_in_dim3A_77 = vector.broadcast %broadcast_in_dim3A_76 : f32 to vector<16xf32>
        %broadcast_in_dim3A_78 = arith.constant 0.000000e+00 : f32
        %broadcast_in_dim3A_79 = vector.broadcast %broadcast_in_dim3A_78 : f32 to vector<16xf32>
        %broadcast_in_dim3A_80 = arith.constant 0.000000e+00 : f32
        %broadcast_in_dim3A_81 = vector.broadcast %broadcast_in_dim3A_80 : f32 to vector<16xf32>
        %broadcast_in_dim3A_82 = arith.constant 0.000000e+00 : f32
        %broadcast_in_dim3A_83 = vector.broadcast %broadcast_in_dim3A_82 : f32 to vector<16xf32>
        %broadcast_in_dim3A_84 = arith.constant 0.000000e+00 : f32
        %broadcast_in_dim3A_85 = vector.broadcast %broadcast_in_dim3A_84 : f32 to vector<16xf32>
        %broadcast_in_dim3A_86 = arith.constant 0.000000e+00 : f32
        %broadcast_in_dim3A_87 = vector.broadcast %broadcast_in_dim3A_86 : f32 to vector<16xf32>
        %broadcast_in_dim3A_88 = arith.constant 0.000000e+00 : f32
        %broadcast_in_dim3A_89 = vector.broadcast %broadcast_in_dim3A_88 : f32 to vector<16xf32>
        %broadcast_in_dim3A_90 = arith.constant 0.000000e+00 : f32
        %broadcast_in_dim3A_91 = vector.broadcast %broadcast_in_dim3A_90 : f32 to vector<16xf32>
        %broadcast_in_dim3A_92 = arith.constant 0.000000e+00 : f32
        %broadcast_in_dim3A_93 = vector.broadcast %broadcast_in_dim3A_92 : f32 to vector<16xf32>
        %scan3A_94 = arith.constant 0 : i32
        %scan3A_95 = arith.constant 8 : i32
        %scan3A_96 = arith.addi %scan3A_94, %scan3A_95 : i32
        %scan3A_97 = arith.constant 1 : i32
        %scan3A_98:16 = scf.for %scan3A_212 = %scan3A_94 to %scan3A_96 step %scan3A_97 iter_args(%scan3A_213 = %broadcast_in_dim3A_63, %scan3A_214 = %broadcast_in_dim3A_65, %scan3A_215 = %broadcast_in_dim3A_67, %scan3A_216 = %broadcast_in_dim3A_69, %scan3A_217 = %broadcast_in_dim3A_71, %scan3A_218 = %broadcast_in_dim3A_73, %scan3A_219 = %broadcast_in_dim3A_75, %scan3A_220 = %broadcast_in_dim3A_77, %scan3A_221 = %broadcast_in_dim3A_79, %scan3A_222 = %broadcast_in_dim3A_81, %scan3A_223 = %broadcast_in_dim3A_83, %scan3A_224 = %broadcast_in_dim3A_85, %scan3A_225 = %broadcast_in_dim3A_87, %scan3A_226 = %broadcast_in_dim3A_89, %scan3A_227 = %broadcast_in_dim3A_91, %scan3A_228 = %broadcast_in_dim3A_93) -> (vector<16xf32>, vector<16xf32>, vector<16xf32>, vector<16xf32>, vector<16xf32>, vector<16xf32>, vector<16xf32>, vector<16xf32>, vector<16xf32>, vector<16xf32>, vector<16xf32>, vector<16xf32>, vector<16xf32>, vector<16xf32>, vector<16xf32>, vector<16xf32>)  : i32 {
          %mul3A_229 = arith.constant 16 : i32
          %mul3A_230 = arith.muli %scan3A_61, %mul3A_229 : i32
          %mul3A_231 = arith.constant 2 : i32
          %mul3A_232 = arith.muli %mul3A_231, %scan3A_212 : i32
          %add3A_233 = arith.addi %mul3A_230, %mul3A_232 : i32
          %get3A = arith.constant 0 : i32
          %get3A_234 = arith.index_cast %add3A_233 : i32 to index
          %get3A_235 = arith.index_cast %get3A : i32 to index
          %get3A_236 = arith.constant 0 : index
          %get3A_237 = tpu.vector_load %arg4[%get3A_234, %get3A_235, %get3A_236] {strides = array<i32>} : memref<160x2x128xf32, #tpu.memory_space<vmem>>, vector<1x1x16xf32>,
          %get3A_238 = vector.shape_cast %get3A_237 : vector<1x1x16xf32> to vector<16xf32>
          %add3A_239 = arith.constant 1 : i32
          %add3A_240 = arith.addi %add3A_233, %add3A_239 : i32
          %get3A_241 = arith.constant 0 : i32
          %get3A_242 = arith.index_cast %add3A_240 : i32 to index
          %get3A_243 = arith.index_cast %get3A_241 : i32 to index
          %get3A_244 = arith.constant 0 : index
          %get3A_245 = tpu.vector_load %arg4[%get3A_242, %get3A_243, %get3A_244] {strides = array<i32>} : memref<160x2x128xf32, #tpu.memory_space<vmem>>, vector<1x1x16xf32>,
          %get3A_246 = vector.shape_cast %get3A_245 : vector<1x1x16xf32> to vector<16xf32>
          %add3A_247 = arith.addf %get3A_238, %get3A_246 : vector<16xf32>
          %add3A_248 = arith.addf %scan3A_213, %add3A_247 : vector<16xf32>
          %get3A_249 = arith.constant 0 : i32
          %get3A_250 = arith.index_cast %add3A_233 : i32 to index
          %get3A_251 = arith.index_cast %get3A_249 : i32 to index
          %get3A_252 = arith.constant 16 : index
          %get3A_253 = tpu.vector_load %arg4[%get3A_250, %get3A_251, %get3A_252] {strides = array<i32>} : memref<160x2x128xf32, #tpu.memory_space<vmem>>, vector<1x1x16xf32>,
          %get3A_254 = vector.shape_cast %get3A_253 : vector<1x1x16xf32> to vector<16xf32>
          %add3A_255 = arith.constant 1 : i32
          %add3A_256 = arith.addi %add3A_233, %add3A_255 : i32
          %get3A_257 = arith.constant 0 : i32
          %get3A_258 = arith.index_cast %add3A_256 : i32 to index
          %get3A_259 = arith.index_cast %get3A_257 : i32 to index
          %get3A_260 = arith.constant 16 : index
          %get3A_261 = tpu.vector_load %arg4[%get3A_258, %get3A_259, %get3A_260] {strides = array<i32>} : memref<160x2x128xf32, #tpu.memory_space<vmem>>, vector<1x1x16xf32>,
          %get3A_262 = vector.shape_cast %get3A_261 : vector<1x1x16xf32> to vector<16xf32>
          %add3A_263 = arith.addf %get3A_254, %get3A_262 : vector<16xf32>
          %add3A_264 = arith.addf %scan3A_214, %add3A_263 : vector<16xf32>
          %get3A_265 = arith.constant 0 : i32
          %get3A_266 = arith.index_cast %add3A_233 : i32 to index
          %get3A_267 = arith.index_cast %get3A_265 : i32 to index
          %get3A_268 = arith.constant 32 : index
          %get3A_269 = tpu.vector_load %arg4[%get3A_266, %get3A_267, %get3A_268] {strides = array<i32>} : memref<160x2x128xf32, #tpu.memory_space<vmem>>, vector<1x1x16xf32>,
          %get3A_270 = vector.shape_cast %get3A_269 : vector<1x1x16xf32> to vector<16xf32>
          %add3A_271 = arith.constant 1 : i32
          %add3A_272 = arith.addi %add3A_233, %add3A_271 : i32
          %get3A_273 = arith.constant 0 : i32
          %get3A_274 = arith.index_cast %add3A_272 : i32 to index
          %get3A_275 = arith.index_cast %get3A_273 : i32 to index
          %get3A_276 = arith.constant 32 : index
          %get3A_277 = tpu.vector_load %arg4[%get3A_274, %get3A_275, %get3A_276] {strides = array<i32>} : memref<160x2x128xf32, #tpu.memory_space<vmem>>, vector<1x1x16xf32>,
          %get3A_278 = vector.shape_cast %get3A_277 : vector<1x1x16xf32> to vector<16xf32>
          %add3A_279 = arith.addf %get3A_270, %get3A_278 : vector<16xf32>
          %add3A_280 = arith.addf %scan3A_215, %add3A_279 : vector<16xf32>
          %get3A_281 = arith.constant 0 : i32
          %get3A_282 = arith.index_cast %add3A_233 : i32 to index
          %get3A_283 = arith.index_cast %get3A_281 : i32 to index
          %get3A_284 = arith.constant 48 : index
          %get3A_285 = tpu.vector_load %arg4[%get3A_282, %get3A_283, %get3A_284] {strides = array<i32>} : memref<160x2x128xf32, #tpu.memory_space<vmem>>, vector<1x1x16xf32>,
          %get3A_286 = vector.shape_cast %get3A_285 : vector<1x1x16xf32> to vector<16xf32>
          %add3A_287 = arith.constant 1 : i32
          %add3A_288 = arith.addi %add3A_233, %add3A_287 : i32
          %get3A_289 = arith.constant 0 : i32
          %get3A_290 = arith.index_cast %add3A_288 : i32 to index
          %get3A_291 = arith.index_cast %get3A_289 : i32 to index
          %get3A_292 = arith.constant 48 : index
          %get3A_293 = tpu.vector_load %arg4[%get3A_290, %get3A_291, %get3A_292] {strides = array<i32>} : memref<160x2x128xf32, #tpu.memory_space<vmem>>, vector<1x1x16xf32>,
          %get3A_294 = vector.shape_cast %get3A_293 : vector<1x1x16xf32> to vector<16xf32>
          %add3A_295 = arith.addf %get3A_286, %get3A_294 : vector<16xf32>
          %add3A_296 = arith.addf %scan3A_216, %add3A_295 : vector<16xf32>
          %get3A_297 = arith.constant 0 : i32
          %get3A_298 = arith.index_cast %add3A_233 : i32 to index
          %get3A_299 = arith.index_cast %get3A_297 : i32 to index
          %get3A_300 = arith.constant 64 : index
          %get3A_301 = tpu.vector_load %arg4[%get3A_298, %get3A_299, %get3A_300] {strides = array<i32>} : memref<160x2x128xf32, #tpu.memory_space<vmem>>, vector<1x1x16xf32>,
          %get3A_302 = vector.shape_cast %get3A_301 : vector<1x1x16xf32> to vector<16xf32>
          %add3A_303 = arith.constant 1 : i32
          %add3A_304 = arith.addi %add3A_233, %add3A_303 : i32
          %get3A_305 = arith.constant 0 : i32
          %get3A_306 = arith.index_cast %add3A_304 : i32 to index
          %get3A_307 = arith.index_cast %get3A_305 : i32 to index
          %get3A_308 = arith.constant 64 : index
          %get3A_309 = tpu.vector_load %arg4[%get3A_306, %get3A_307, %get3A_308] {strides = array<i32>} : memref<160x2x128xf32, #tpu.memory_space<vmem>>, vector<1x1x16xf32>,
          %get3A_310 = vector.shape_cast %get3A_309 : vector<1x1x16xf32> to vector<16xf32>
          %add3A_311 = arith.addf %get3A_302, %get3A_310 : vector<16xf32>
          %add3A_312 = arith.addf %scan3A_217, %add3A_311 : vector<16xf32>
          %get3A_313 = arith.constant 0 : i32
          %get3A_314 = arith.index_cast %add3A_233 : i32 to index
          %get3A_315 = arith.index_cast %get3A_313 : i32 to index
          %get3A_316 = arith.constant 80 : index
          %get3A_317 = tpu.vector_load %arg4[%get3A_314, %get3A_315, %get3A_316] {strides = array<i32>} : memref<160x2x128xf32, #tpu.memory_space<vmem>>, vector<1x1x16xf32>,
          %get3A_318 = vector.shape_cast %get3A_317 : vector<1x1x16xf32> to vector<16xf32>
          %add3A_319 = arith.constant 1 : i32
          %add3A_320 = arith.addi %add3A_233, %add3A_319 : i32
          %get3A_321 = arith.constant 0 : i32
          %get3A_322 = arith.index_cast %add3A_320 : i32 to index
          %get3A_323 = arith.index_cast %get3A_321 : i32 to index
          %get3A_324 = arith.constant 80 : index
          %get3A_325 = tpu.vector_load %arg4[%get3A_322, %get3A_323, %get3A_324] {strides = array<i32>} : memref<160x2x128xf32, #tpu.memory_space<vmem>>, vector<1x1x16xf32>,
          %get3A_326 = vector.shape_cast %get3A_325 : vector<1x1x16xf32> to vector<16xf32>
          %add3A_327 = arith.addf %get3A_318, %get3A_326 : vector<16xf32>
          %add3A_328 = arith.addf %scan3A_218, %add3A_327 : vector<16xf32>
          %get3A_329 = arith.constant 0 : i32
          %get3A_330 = arith.index_cast %add3A_233 : i32 to index
          %get3A_331 = arith.index_cast %get3A_329 : i32 to index
          %get3A_332 = arith.constant 96 : index
          %get3A_333 = tpu.vector_load %arg4[%get3A_330, %get3A_331, %get3A_332] {strides = array<i32>} : memref<160x2x128xf32, #tpu.memory_space<vmem>>, vector<1x1x16xf32>,
          %get3A_334 = vector.shape_cast %get3A_333 : vector<1x1x16xf32> to vector<16xf32>
          %add3A_335 = arith.constant 1 : i32
          %add3A_336 = arith.addi %add3A_233, %add3A_335 : i32
          %get3A_337 = arith.constant 0 : i32
          %get3A_338 = arith.index_cast %add3A_336 : i32 to index
          %get3A_339 = arith.index_cast %get3A_337 : i32 to index
          %get3A_340 = arith.constant 96 : index
          %get3A_341 = tpu.vector_load %arg4[%get3A_338, %get3A_339, %get3A_340] {strides = array<i32>} : memref<160x2x128xf32, #tpu.memory_space<vmem>>, vector<1x1x16xf32>,
          %get3A_342 = vector.shape_cast %get3A_341 : vector<1x1x16xf32> to vector<16xf32>
          %add3A_343 = arith.addf %get3A_334, %get3A_342 : vector<16xf32>
          %add3A_344 = arith.addf %scan3A_219, %add3A_343 : vector<16xf32>
          %get3A_345 = arith.constant 0 : i32
          %get3A_346 = arith.index_cast %add3A_233 : i32 to index
          %get3A_347 = arith.index_cast %get3A_345 : i32 to index
          %get3A_348 = arith.constant 112 : index
          %get3A_349 = tpu.vector_load %arg4[%get3A_346, %get3A_347, %get3A_348] {strides = array<i32>} : memref<160x2x128xf32, #tpu.memory_space<vmem>>, vector<1x1x16xf32>,
          %get3A_350 = vector.shape_cast %get3A_349 : vector<1x1x16xf32> to vector<16xf32>
          %add3A_351 = arith.constant 1 : i32
          %add3A_352 = arith.addi %add3A_233, %add3A_351 : i32
          %get3A_353 = arith.constant 0 : i32
          %get3A_354 = arith.index_cast %add3A_352 : i32 to index
          %get3A_355 = arith.index_cast %get3A_353 : i32 to index
          %get3A_356 = arith.constant 112 : index
          %get3A_357 = tpu.vector_load %arg4[%get3A_354, %get3A_355, %get3A_356] {strides = array<i32>} : memref<160x2x128xf32, #tpu.memory_space<vmem>>, vector<1x1x16xf32>,
          %get3A_358 = vector.shape_cast %get3A_357 : vector<1x1x16xf32> to vector<16xf32>
          %add3A_359 = arith.addf %get3A_350, %get3A_358 : vector<16xf32>
          %add3A_360 = arith.addf %scan3A_220, %add3A_359 : vector<16xf32>
          %get3A_361 = arith.constant 1 : i32
          %get3A_362 = arith.index_cast %add3A_233 : i32 to index
          %get3A_363 = arith.index_cast %get3A_361 : i32 to index
          %get3A_364 = arith.constant 0 : index
          %get3A_365 = tpu.vector_load %arg4[%get3A_362, %get3A_363, %get3A_364] {strides = array<i32>} : memref<160x2x128xf32, #tpu.memory_space<vmem>>, vector<1x1x16xf32>,
          %get3A_366 = vector.shape_cast %get3A_365 : vector<1x1x16xf32> to vector<16xf32>
          %add3A_367 = arith.constant 1 : i32
          %add3A_368 = arith.addi %add3A_233, %add3A_367 : i32
          %get3A_369 = arith.constant 1 : i32
          %get3A_370 = arith.index_cast %add3A_368 : i32 to index
          %get3A_371 = arith.index_cast %get3A_369 : i32 to index
          %get3A_372 = arith.constant 0 : index
          %get3A_373 = tpu.vector_load %arg4[%get3A_370, %get3A_371, %get3A_372] {strides = array<i32>} : memref<160x2x128xf32, #tpu.memory_space<vmem>>, vector<1x1x16xf32>,
          %get3A_374 = vector.shape_cast %get3A_373 : vector<1x1x16xf32> to vector<16xf32>
          %add3A_375 = arith.addf %get3A_366, %get3A_374 : vector<16xf32>
          %add3A_376 = arith.addf %scan3A_221, %add3A_375 : vector<16xf32>
          %get3A_377 = arith.constant 1 : i32
          %get3A_378 = arith.index_cast %add3A_233 : i32 to index
          %get3A_379 = arith.index_cast %get3A_377 : i32 to index
          %get3A_380 = arith.constant 16 : index
          %get3A_381 = tpu.vector_load %arg4[%get3A_378, %get3A_379, %get3A_380] {strides = array<i32>} : memref<160x2x128xf32, #tpu.memory_space<vmem>>, vector<1x1x16xf32>,
          %get3A_382 = vector.shape_cast %get3A_381 : vector<1x1x16xf32> to vector<16xf32>
          %add3A_383 = arith.constant 1 : i32
          %add3A_384 = arith.addi %add3A_233, %add3A_383 : i32
          %get3A_385 = arith.constant 1 : i32
          %get3A_386 = arith.index_cast %add3A_384 : i32 to index
          %get3A_387 = arith.index_cast %get3A_385 : i32 to index
          %get3A_388 = arith.constant 16 : index
          %get3A_389 = tpu.vector_load %arg4[%get3A_386, %get3A_387, %get3A_388] {strides = array<i32>} : memref<160x2x128xf32, #tpu.memory_space<vmem>>, vector<1x1x16xf32>,
          %get3A_390 = vector.shape_cast %get3A_389 : vector<1x1x16xf32> to vector<16xf32>
          %add3A_391 = arith.addf %get3A_382, %get3A_390 : vector<16xf32>
          %add3A_392 = arith.addf %scan3A_222, %add3A_391 : vector<16xf32>
          %get3A_393 = arith.constant 1 : i32
          %get3A_394 = arith.index_cast %add3A_233 : i32 to index
          %get3A_395 = arith.index_cast %get3A_393 : i32 to index
          %get3A_396 = arith.constant 32 : index
          %get3A_397 = tpu.vector_load %arg4[%get3A_394, %get3A_395, %get3A_396] {strides = array<i32>} : memref<160x2x128xf32, #tpu.memory_space<vmem>>, vector<1x1x16xf32>,
          %get3A_398 = vector.shape_cast %get3A_397 : vector<1x1x16xf32> to vector<16xf32>
          %add3A_399 = arith.constant 1 : i32
          %add3A_400 = arith.addi %add3A_233, %add3A_399 : i32
          %get3A_401 = arith.constant 1 : i32
          %get3A_402 = arith.index_cast %add3A_400 : i32 to index
          %get3A_403 = arith.index_cast %get3A_401 : i32 to index
          %get3A_404 = arith.constant 32 : index
          %get3A_405 = tpu.vector_load %arg4[%get3A_402, %get3A_403, %get3A_404] {strides = array<i32>} : memref<160x2x128xf32, #tpu.memory_space<vmem>>, vector<1x1x16xf32>,
          %get3A_406 = vector.shape_cast %get3A_405 : vector<1x1x16xf32> to vector<16xf32>
          %add3A_407 = arith.addf %get3A_398, %get3A_406 : vector<16xf32>
          %add3A_408 = arith.addf %scan3A_223, %add3A_407 : vector<16xf32>
          %get3A_409 = arith.constant 1 : i32
          %get3A_410 = arith.index_cast %add3A_233 : i32 to index
          %get3A_411 = arith.index_cast %get3A_409 : i32 to index
          %get3A_412 = arith.constant 48 : index
          %get3A_413 = tpu.vector_load %arg4[%get3A_410, %get3A_411, %get3A_412] {strides = array<i32>} : memref<160x2x128xf32, #tpu.memory_space<vmem>>, vector<1x1x16xf32>,
          %get3A_414 = vector.shape_cast %get3A_413 : vector<1x1x16xf32> to vector<16xf32>
          %add3A_415 = arith.constant 1 : i32
          %add3A_416 = arith.addi %add3A_233, %add3A_415 : i32
          %get3A_417 = arith.constant 1 : i32
          %get3A_418 = arith.index_cast %add3A_416 : i32 to index
          %get3A_419 = arith.index_cast %get3A_417 : i32 to index
          %get3A_420 = arith.constant 48 : index
          %get3A_421 = tpu.vector_load %arg4[%get3A_418, %get3A_419, %get3A_420] {strides = array<i32>} : memref<160x2x128xf32, #tpu.memory_space<vmem>>, vector<1x1x16xf32>,
          %get3A_422 = vector.shape_cast %get3A_421 : vector<1x1x16xf32> to vector<16xf32>
          %add3A_423 = arith.addf %get3A_414, %get3A_422 : vector<16xf32>
          %add3A_424 = arith.addf %scan3A_224, %add3A_423 : vector<16xf32>
          %get3A_425 = arith.constant 1 : i32
          %get3A_426 = arith.index_cast %add3A_233 : i32 to index
          %get3A_427 = arith.index_cast %get3A_425 : i32 to index
          %get3A_428 = arith.constant 64 : index
          %get3A_429 = tpu.vector_load %arg4[%get3A_426, %get3A_427, %get3A_428] {strides = array<i32>} : memref<160x2x128xf32, #tpu.memory_space<vmem>>, vector<1x1x16xf32>,
          %get3A_430 = vector.shape_cast %get3A_429 : vector<1x1x16xf32> to vector<16xf32>
          %add3A_431 = arith.constant 1 : i32
          %add3A_432 = arith.addi %add3A_233, %add3A_431 : i32
          %get3A_433 = arith.constant 1 : i32
          %get3A_434 = arith.index_cast %add3A_432 : i32 to index
          %get3A_435 = arith.index_cast %get3A_433 : i32 to index
          %get3A_436 = arith.constant 64 : index
          %get3A_437 = tpu.vector_load %arg4[%get3A_434, %get3A_435, %get3A_436] {strides = array<i32>} : memref<160x2x128xf32, #tpu.memory_space<vmem>>, vector<1x1x16xf32>,
          %get3A_438 = vector.shape_cast %get3A_437 : vector<1x1x16xf32> to vector<16xf32>
          %add3A_439 = arith.addf %get3A_430, %get3A_438 : vector<16xf32>
          %add3A_440 = arith.addf %scan3A_225, %add3A_439 : vector<16xf32>
          %get3A_441 = arith.constant 1 : i32
          %get3A_442 = arith.index_cast %add3A_233 : i32 to index
          %get3A_443 = arith.index_cast %get3A_441 : i32 to index
          %get3A_444 = arith.constant 80 : index
          %get3A_445 = tpu.vector_load %arg4[%get3A_442, %get3A_443, %get3A_444] {strides = array<i32>} : memref<160x2x128xf32, #tpu.memory_space<vmem>>, vector<1x1x16xf32>,
          %get3A_446 = vector.shape_cast %get3A_445 : vector<1x1x16xf32> to vector<16xf32>
          %add3A_447 = arith.constant 1 : i32
          %add3A_448 = arith.addi %add3A_233, %add3A_447 : i32
          %get3A_449 = arith.constant 1 : i32
          %get3A_450 = arith.index_cast %add3A_448 : i32 to index
          %get3A_451 = arith.index_cast %get3A_449 : i32 to index
          %get3A_452 = arith.constant 80 : index
          %get3A_453 = tpu.vector_load %arg4[%get3A_450, %get3A_451, %get3A_452] {strides = array<i32>} : memref<160x2x128xf32, #tpu.memory_space<vmem>>, vector<1x1x16xf32>,
          %get3A_454 = vector.shape_cast %get3A_453 : vector<1x1x16xf32> to vector<16xf32>
          %add3A_455 = arith.addf %get3A_446, %get3A_454 : vector<16xf32>
          %add3A_456 = arith.addf %scan3A_226, %add3A_455 : vector<16xf32>
          %get3A_457 = arith.constant 1 : i32
          %get3A_458 = arith.index_cast %add3A_233 : i32 to index
          %get3A_459 = arith.index_cast %get3A_457 : i32 to index
          %get3A_460 = arith.constant 96 : index
          %get3A_461 = tpu.vector_load %arg4[%get3A_458, %get3A_459, %get3A_460] {strides = array<i32>} : memref<160x2x128xf32, #tpu.memory_space<vmem>>, vector<1x1x16xf32>,
          %get3A_462 = vector.shape_cast %get3A_461 : vector<1x1x16xf32> to vector<16xf32>
          %add3A_463 = arith.constant 1 : i32
          %add3A_464 = arith.addi %add3A_233, %add3A_463 : i32
          %get3A_465 = arith.constant 1 : i32
          %get3A_466 = arith.index_cast %add3A_464 : i32 to index
          %get3A_467 = arith.index_cast %get3A_465 : i32 to index
          %get3A_468 = arith.constant 96 : index
          %get3A_469 = tpu.vector_load %arg4[%get3A_466, %get3A_467, %get3A_468] {strides = array<i32>} : memref<160x2x128xf32, #tpu.memory_space<vmem>>, vector<1x1x16xf32>,
          %get3A_470 = vector.shape_cast %get3A_469 : vector<1x1x16xf32> to vector<16xf32>
          %add3A_471 = arith.addf %get3A_462, %get3A_470 : vector<16xf32>
          %add3A_472 = arith.addf %scan3A_227, %add3A_471 : vector<16xf32>
          %get3A_473 = arith.constant 1 : i32
          %get3A_474 = arith.index_cast %add3A_233 : i32 to index
          %get3A_475 = arith.index_cast %get3A_473 : i32 to index
          %get3A_476 = arith.constant 112 : index
          %get3A_477 = tpu.vector_load %arg4[%get3A_474, %get3A_475, %get3A_476] {strides = array<i32>} : memref<160x2x128xf32, #tpu.memory_space<vmem>>, vector<1x1x16xf32>,
          %get3A_478 = vector.shape_cast %get3A_477 : vector<1x1x16xf32> to vector<16xf32>
          %add3A_479 = arith.constant 1 : i32
          %add3A_480 = arith.addi %add3A_233, %add3A_479 : i32
          %get3A_481 = arith.constant 1 : i32
          %get3A_482 = arith.index_cast %add3A_480 : i32 to index
          %get3A_483 = arith.index_cast %get3A_481 : i32 to index
          %get3A_484 = arith.constant 112 : index
          %get3A_485 = tpu.vector_load %arg4[%get3A_482, %get3A_483, %get3A_484] {strides = array<i32>} : memref<160x2x128xf32, #tpu.memory_space<vmem>>, vector<1x1x16xf32>,
          %get3A_486 = vector.shape_cast %get3A_485 : vector<1x1x16xf32> to vector<16xf32>
          %add3A_487 = arith.addf %get3A_478, %get3A_486 : vector<16xf32>
          %add3A_488 = arith.addf %scan3A_228, %add3A_487 : vector<16xf32>
          scf.yield %add3A_248, %add3A_264, %add3A_280, %add3A_296, %add3A_312, %add3A_328, %add3A_344, %add3A_360, %add3A_376, %add3A_392, %add3A_408, %add3A_424, %add3A_440, %add3A_456, %add3A_472, %add3A_488 : vector<16xf32>, vector<16xf32>, vector<16xf32>, vector<16xf32>, vector<16xf32>, vector<16xf32>, vector<16xf32>, vector<16xf32>, vector<16xf32>, vector<16xf32>, vector<16xf32>, vector<16xf32>, vector<16xf32>, vector<16xf32>, vector<16xf32>, vector<16xf32>
        }
        %scan3A_99 = arith.constant 8 : i32
        %swap3A = arith.constant 0 : i32
        %swap3A_100 = arith.index_cast %scan3A_61 : i32 to index
        %swap3A_101 = arith.index_cast %swap3A : i32 to index
        %swap3A_102 = arith.constant 0 : index
        %swap3A_103 = tpu.vector_load %arg5[%swap3A_100, %swap3A_101, %swap3A_102] {strides = array<i32>} : memref<10x2x128xf32, #tpu.memory_space<vmem>>, vector<1x1x16xf32>,
        %swap3A_104 = vector.shape_cast %swap3A_103 : vector<1x1x16xf32> to vector<16xf32>
        %swap3A_105 = vector.shape_cast %scan3A_98#0 : vector<16xf32> to vector<1x1x16xf32>
        tpu.vector_store %arg5[%swap3A_100, %swap3A_101, %swap3A_102], %swap3A_105 {strides = array<i32>} : memref<10x2x128xf32, #tpu.memory_space<vmem>>, vector<1x1x16xf32>,
        %swap3A_106 = arith.constant 0 : i32
        %swap3A_107 = arith.index_cast %scan3A_61 : i32 to index
        %swap3A_108 = arith.index_cast %swap3A_106 : i32 to index
        %swap3A_109 = arith.constant 16 : index
        %swap3A_110 = tpu.vector_load %arg5[%swap3A_107, %swap3A_108, %swap3A_109] {strides = array<i32>} : memref<10x2x128xf32, #tpu.memory_space<vmem>>, vector<1x1x16xf32>,
        %swap3A_111 = vector.shape_cast %swap3A_110 : vector<1x1x16xf32> to vector<16xf32>
        %swap3A_112 = vector.shape_cast %scan3A_98#1 : vector<16xf32> to vector<1x1x16xf32>
        tpu.vector_store %arg5[%swap3A_107, %swap3A_108, %swap3A_109], %swap3A_112 {strides = array<i32>} : memref<10x2x128xf32, #tpu.memory_space<vmem>>, vector<1x1x16xf32>,
        %swap3A_113 = arith.constant 0 : i32
        %swap3A_114 = arith.index_cast %scan3A_61 : i32 to index
        %swap3A_115 = arith.index_cast %swap3A_113 : i32 to index
        %swap3A_116 = arith.constant 32 : index
        %swap3A_117 = tpu.vector_load %arg5[%swap3A_114, %swap3A_115, %swap3A_116] {strides = array<i32>} : memref<10x2x128xf32, #tpu.memory_space<vmem>>, vector<1x1x16xf32>,
        %swap3A_118 = vector.shape_cast %swap3A_117 : vector<1x1x16xf32> to vector<16xf32>
        %swap3A_119 = vector.shape_cast %scan3A_98#2 : vector<16xf32> to vector<1x1x16xf32>
        tpu.vector_store %arg5[%swap3A_114, %swap3A_115, %swap3A_116], %swap3A_119 {strides = array<i32>} : memref<10x2x128xf32, #tpu.memory_space<vmem>>, vector<1x1x16xf32>,
        %swap3A_120 = arith.constant 0 : i32
        %swap3A_121 = arith.index_cast %scan3A_61 : i32 to index
        %swap3A_122 = arith.index_cast %swap3A_120 : i32 to index
        %swap3A_123 = arith.constant 48 : index
        %swap3A_124 = tpu.vector_load %arg5[%swap3A_121, %swap3A_122, %swap3A_123] {strides = array<i32>} : memref<10x2x128xf32, #tpu.memory_space<vmem>>, vector<1x1x16xf32>,
        %swap3A_125 = vector.shape_cast %swap3A_124 : vector<1x1x16xf32> to vector<16xf32>
        %swap3A_126 = vector.shape_cast %scan3A_98#3 : vector<16xf32> to vector<1x1x16xf32>
        tpu.vector_store %arg5[%swap3A_121, %swap3A_122, %swap3A_123], %swap3A_126 {strides = array<i32>} : memref<10x2x128xf32, #tpu.memory_space<vmem>>, vector<1x1x16xf32>,
        %swap3A_127 = arith.constant 0 : i32
        %swap3A_128 = arith.index_cast %scan3A_61 : i32 to index
        %swap3A_129 = arith.index_cast %swap3A_127 : i32 to index
        %swap3A_130 = arith.constant 64 : index
        %swap3A_131 = tpu.vector_load %arg5[%swap3A_128, %swap3A_129, %swap3A_130] {strides = array<i32>} : memref<10x2x128xf32, #tpu.memory_space<vmem>>, vector<1x1x16xf32>,
        %swap3A_132 = vector.shape_cast %swap3A_131 : vector<1x1x16xf32> to vector<16xf32>
        %swap3A_133 = vector.shape_cast %scan3A_98#4 : vector<16xf32> to vector<1x1x16xf32>
        tpu.vector_store %arg5[%swap3A_128, %swap3A_129, %swap3A_130], %swap3A_133 {strides = array<i32>} : memref<10x2x128xf32, #tpu.memory_space<vmem>>, vector<1x1x16xf32>,
        %swap3A_134 = arith.constant 0 : i32
        %swap3A_135 = arith.index_cast %scan3A_61 : i32 to index
        %swap3A_136 = arith.index_cast %swap3A_134 : i32 to index
        %swap3A_137 = arith.constant 80 : index
        %swap3A_138 = tpu.vector_load %arg5[%swap3A_135, %swap3A_136, %swap3A_137] {strides = array<i32>} : memref<10x2x128xf32, #tpu.memory_space<vmem>>, vector<1x1x16xf32>,
        %swap3A_139 = vector.shape_cast %swap3A_138 : vector<1x1x16xf32> to vector<16xf32>
        %swap3A_140 = vector.shape_cast %scan3A_98#5 : vector<16xf32> to vector<1x1x16xf32>
        tpu.vector_store %arg5[%swap3A_135, %swap3A_136, %swap3A_137], %swap3A_140 {strides = array<i32>} : memref<10x2x128xf32, #tpu.memory_space<vmem>>, vector<1x1x16xf32>,
        %swap3A_141 = arith.constant 0 : i32
        %swap3A_142 = arith.index_cast %scan3A_61 : i32 to index
        %swap3A_143 = arith.index_cast %swap3A_141 : i32 to index
        %swap3A_144 = arith.constant 96 : index
        %swap3A_145 = tpu.vector_load %arg5[%swap3A_142, %swap3A_143, %swap3A_144] {strides = array<i32>} : memref<10x2x128xf32, #tpu.memory_space<vmem>>, vector<1x1x16xf32>,
        %swap3A_146 = vector.shape_cast %swap3A_145 : vector<1x1x16xf32> to vector<16xf32>
        %swap3A_147 = vector.shape_cast %scan3A_98#6 : vector<16xf32> to vector<1x1x16xf32>
        tpu.vector_store %arg5[%swap3A_142, %swap3A_143, %swap3A_144], %swap3A_147 {strides = array<i32>} : memref<10x2x128xf32, #tpu.memory_space<vmem>>, vector<1x1x16xf32>,
        %swap3A_148 = arith.constant 0 : i32
        %swap3A_149 = arith.index_cast %scan3A_61 : i32 to index
        %swap3A_150 = arith.index_cast %swap3A_148 : i32 to index
        %swap3A_151 = arith.constant 112 : index
        %swap3A_152 = tpu.vector_load %arg5[%swap3A_149, %swap3A_150, %swap3A_151] {strides = array<i32>} : memref<10x2x128xf32, #tpu.memory_space<vmem>>, vector<1x1x16xf32>,
        %swap3A_153 = vector.shape_cast %swap3A_152 : vector<1x1x16xf32> to vector<16xf32>
        %swap3A_154 = vector.shape_cast %scan3A_98#7 : vector<16xf32> to vector<1x1x16xf32>
        tpu.vector_store %arg5[%swap3A_149, %swap3A_150, %swap3A_151], %swap3A_154 {strides = array<i32>} : memref<10x2x128xf32, #tpu.memory_space<vmem>>, vector<1x1x16xf32>,
        %swap3A_155 = arith.constant 1 : i32
        %swap3A_156 = arith.index_cast %scan3A_61 : i32 to index
        %swap3A_157 = arith.index_cast %swap3A_155 : i32 to index
        %swap3A_158 = arith.constant 0 : index
        %swap3A_159 = tpu.vector_load %arg5[%swap3A_156, %swap3A_157, %swap3A_158] {strides = array<i32>} : memref<10x2x128xf32, #tpu.memory_space<vmem>>, vector<1x1x16xf32>,
        %swap3A_160 = vector.shape_cast %swap3A_159 : vector<1x1x16xf32> to vector<16xf32>
        %swap3A_161 = vector.shape_cast %scan3A_98#8 : vector<16xf32> to vector<1x1x16xf32>
        tpu.vector_store %arg5[%swap3A_156, %swap3A_157, %swap3A_158], %swap3A_161 {strides = array<i32>} : memref<10x2x128xf32, #tpu.memory_space<vmem>>, vector<1x1x16xf32>,
        %swap3A_162 = arith.constant 1 : i32
        %swap3A_163 = arith.index_cast %scan3A_61 : i32 to index
        %swap3A_164 = arith.index_cast %swap3A_162 : i32 to index
        %swap3A_165 = arith.constant 16 : index
        %swap3A_166 = tpu.vector_load %arg5[%swap3A_163, %swap3A_164, %swap3A_165] {strides = array<i32>} : memref<10x2x128xf32, #tpu.memory_space<vmem>>, vector<1x1x16xf32>,
        %swap3A_167 = vector.shape_cast %swap3A_166 : vector<1x1x16xf32> to vector<16xf32>
        %swap3A_168 = vector.shape_cast %scan3A_98#9 : vector<16xf32> to vector<1x1x16xf32>
        tpu.vector_store %arg5[%swap3A_163, %swap3A_164, %swap3A_165], %swap3A_168 {strides = array<i32>} : memref<10x2x128xf32, #tpu.memory_space<vmem>>, vector<1x1x16xf32>,
        %swap3A_169 = arith.constant 1 : i32
        %swap3A_170 = arith.index_cast %scan3A_61 : i32 to index
        %swap3A_171 = arith.index_cast %swap3A_169 : i32 to index
        %swap3A_172 = arith.constant 32 : index
        %swap3A_173 = tpu.vector_load %arg5[%swap3A_170, %swap3A_171, %swap3A_172] {strides = array<i32>} : memref<10x2x128xf32, #tpu.memory_space<vmem>>, vector<1x1x16xf32>,
        %swap3A_174 = vector.shape_cast %swap3A_173 : vector<1x1x16xf32> to vector<16xf32>
        %swap3A_175 = vector.shape_cast %scan3A_98#10 : vector<16xf32> to vector<1x1x16xf32>
        tpu.vector_store %arg5[%swap3A_170, %swap3A_171, %swap3A_172], %swap3A_175 {strides = array<i32>} : memref<10x2x128xf32, #tpu.memory_space<vmem>>, vector<1x1x16xf32>,
        %swap3A_176 = arith.constant 1 : i32
        %swap3A_177 = arith.index_cast %scan3A_61 : i32 to index
        %swap3A_178 = arith.index_cast %swap3A_176 : i32 to index
        %swap3A_179 = arith.constant 48 : index
        %swap3A_180 = tpu.vector_load %arg5[%swap3A_177, %swap3A_178, %swap3A_179] {strides = array<i32>} : memref<10x2x128xf32, #tpu.memory_space<vmem>>, vector<1x1x16xf32>,
        %swap3A_181 = vector.shape_cast %swap3A_180 : vector<1x1x16xf32> to vector<16xf32>
        %swap3A_182 = vector.shape_cast %scan3A_98#11 : vector<16xf32> to vector<1x1x16xf32>
        tpu.vector_store %arg5[%swap3A_177, %swap3A_178, %swap3A_179], %swap3A_182 {strides = array<i32>} : memref<10x2x128xf32, #tpu.memory_space<vmem>>, vector<1x1x16xf32>,
        %swap3A_183 = arith.constant 1 : i32
        %swap3A_184 = arith.index_cast %scan3A_61 : i32 to index
        %swap3A_185 = arith.index_cast %swap3A_183 : i32 to index
        %swap3A_186 = arith.constant 64 : index
        %swap3A_187 = tpu.vector_load %arg5[%swap3A_184, %swap3A_185, %swap3A_186] {strides = array<i32>} : memref<10x2x128xf32, #tpu.memory_space<vmem>>, vector<1x1x16xf32>,
        %swap3A_188 = vector.shape_cast %swap3A_187 : vector<1x1x16xf32> to vector<16xf32>
        %swap3A_189 = vector.shape_cast %scan3A_98#12 : vector<16xf32> to vector<1x1x16xf32>
        tpu.vector_store %arg5[%swap3A_184, %swap3A_185, %swap3A_186], %swap3A_189 {strides = array<i32>} : memref<10x2x128xf32, #tpu.memory_space<vmem>>, vector<1x1x16xf32>,
        %swap3A_190 = arith.constant 1 : i32
        %swap3A_191 = arith.index_cast %scan3A_61 : i32 to index
        %swap3A_192 = arith.index_cast %swap3A_190 : i32 to index
        %swap3A_193 = arith.constant 80 : index
        %swap3A_194 = tpu.vector_load %arg5[%swap3A_191, %swap3A_192, %swap3A_193] {strides = array<i32>} : memref<10x2x128xf32, #tpu.memory_space<vmem>>, vector<1x1x16xf32>,
        %swap3A_195 = vector.shape_cast %swap3A_194 : vector<1x1x16xf32> to vector<16xf32>
        %swap3A_196 = vector.shape_cast %scan3A_98#13 : vector<16xf32> to vector<1x1x16xf32>
        tpu.vector_store %arg5[%swap3A_191, %swap3A_192, %swap3A_193], %swap3A_196 {strides = array<i32>} : memref<10x2x128xf32, #tpu.memory_space<vmem>>, vector<1x1x16xf32>,
        %swap3A_197 = arith.constant 1 : i32
        %swap3A_198 = arith.index_cast %scan3A_61 : i32 to index
        %swap3A_199 = arith.index_cast %swap3A_197 : i32 to index
        %swap3A_200 = arith.constant 96 : index
        %swap3A_201 = tpu.vector_load %arg5[%swap3A_198, %swap3A_199, %swap3A_200] {strides = array<i32>} : memref<10x2x128xf32, #tpu.memory_space<vmem>>, vector<1x1x16xf32>,
        %swap3A_202 = vector.shape_cast %swap3A_201 : vector<1x1x16xf32> to vector<16xf32>
        %swap3A_203 = vector.shape_cast %scan3A_98#14 : vector<16xf32> to vector<1x1x16xf32>
        tpu.vector_store %arg5[%swap3A_198, %swap3A_199, %swap3A_200], %swap3A_203 {strides = array<i32>} : memref<10x2x128xf32, #tpu.memory_space<vmem>>, vector<1x1x16xf32>,
        %swap3A_204 = arith.constant 1 : i32
        %swap3A_205 = arith.index_cast %scan3A_61 : i32 to index
        %swap3A_206 = arith.index_cast %swap3A_204 : i32 to index
        %swap3A_207 = arith.constant 112 : index
        %swap3A_208 = tpu.vector_load %arg5[%swap3A_205, %swap3A_206, %swap3A_207] {strides = array<i32>} : memref<10x2x128xf32, #tpu.memory_space<vmem>>, vector<1x1x16xf32>,
        %swap3A_209 = vector.shape_cast %swap3A_208 : vector<1x1x16xf32> to vector<16xf32>
        %swap3A_210 = vector.shape_cast %scan3A_98#15 : vector<16xf32> to vector<1x1x16xf32>
        tpu.vector_store %arg5[%swap3A_205, %swap3A_206, %swap3A_207], %swap3A_210 {strides = array<i32>} : memref<10x2x128xf32, #tpu.memory_space<vmem>>, vector<1x1x16xf32>,
        %scan3A_211 = arith.constant 0 : i32
        scf.yield %scan3A_211 : i32
      }
      %scan3A_52 = arith.constant 10 : i32
      %scan3A_53 = arith.constant 0 : i32
      %scan3A_54 = arith.constant 0 : i32
      %scan3A_55 = arith.constant 8 : i32
      %scan3A_56 = arith.addi %scan3A_54, %scan3A_55 : i32
      %scan3A_57 = arith.constant 1 : i32
      %scan3A_58 = scf.for %scan3A_61 = %scan3A_54 to %scan3A_56 step %scan3A_57 iter_args(%scan3A_62 = %scan3A_53) -> (i32)  : i32 {
        %add3A_63 = arith.addi %add3A_4, %scan3A_61 : i32
        %ge3A_64 = arith.constant 63 : i32
        %ge3A_65 = arith.cmpi sge, %add3A_63, %ge3A_64 : i32
        %convert_element_type3A_66 = arith.extui %ge3A_65 : i1 to i32
        %add3A_67 = arith.addi %add3A_63, %convert_element_type3A_66 : i32
        %ge3A_68 = arith.constant 254 : i32
        %ge3A_69 = arith.cmpi sge, %add3A_63, %ge3A_68 : i32
        %convert_element_type3A_70 = arith.extui %ge3A_69 : i1 to i32
        %add3A_71 = arith.addi %add3A_67, %convert_element_type3A_70 : i32
        %ge3A_72 = arith.constant 381 : i32
        %ge3A_73 = arith.cmpi sge, %add3A_63, %ge3A_72 : i32
        %convert_element_type3A_74 = arith.extui %ge3A_73 : i1 to i32
        %add3A_75 = arith.addi %add3A_71, %convert_element_type3A_74 : i32
        %ge3A_76 = arith.constant 508 : i32
        %ge3A_77 = arith.cmpi sge, %add3A_63, %ge3A_76 : i32
        %convert_element_type3A_78 = arith.extui %ge3A_77 : i1 to i32
        %add3A_79 = arith.addi %add3A_75, %convert_element_type3A_78 : i32
        %ge3A_80 = arith.constant 539 : i32
        %ge3A_81 = arith.cmpi sge, %add3A_63, %ge3A_80 : i32
        %convert_element_type3A_82 = arith.extui %ge3A_81 : i1 to i32
        %add3A_83 = arith.addi %add3A_79, %convert_element_type3A_82 : i32
        %ge3A_84 = arith.constant 762 : i32
        %ge3A_85 = arith.cmpi sge, %add3A_63, %ge3A_84 : i32
        %convert_element_type3A_86 = arith.extui %ge3A_85 : i1 to i32
        %add3A_87 = arith.addi %add3A_83, %convert_element_type3A_86 : i32
        %ge3A_88 = arith.constant 857 : i32
        %ge3A_89 = arith.cmpi sge, %add3A_63, %ge3A_88 : i32
        %convert_element_type3A_90 = arith.extui %ge3A_89 : i1 to i32
        %add3A_91 = arith.addi %add3A_87, %convert_element_type3A_90 : i32
        %sub3A_92 = arith.subi %add3A_91, %min3A_31 : i32
        %get3A = arith.constant 0 : i32
        %get3A_93 = arith.index_cast %sub3A_92 : i32 to index
        %get3A_94 = arith.index_cast %get3A : i32 to index
        %get3A_95 = arith.constant 0 : index
        %get3A_96 = tpu.vector_load %arg5[%get3A_93, %get3A_94, %get3A_95] {strides = array<i32>} : memref<10x2x128xf32, #tpu.memory_space<vmem>>, vector<1x1x16xf32>,
        %get3A_97 = vector.shape_cast %get3A_96 : vector<1x1x16xf32> to vector<16xf32>
        %add3A_98 = arith.constant 1 : i32
        %add3A_99 = arith.addi %sub3A_92, %add3A_98 : i32
        %get3A_100 = arith.constant 0 : i32
        %get3A_101 = arith.index_cast %add3A_99 : i32 to index
        %get3A_102 = arith.index_cast %get3A_100 : i32 to index
        %get3A_103 = arith.constant 0 : index
        %get3A_104 = tpu.vector_load %arg5[%get3A_101, %get3A_102, %get3A_103] {strides = array<i32>} : memref<10x2x128xf32, #tpu.memory_space<vmem>>, vector<1x1x16xf32>,
        %get3A_105 = vector.shape_cast %get3A_104 : vector<1x1x16xf32> to vector<16xf32>
        %add3A_106 = arith.addf %get3A_97, %get3A_105 : vector<16xf32>
        %mul3A_107 = arith.constant 3.125000e-02 : f32
        %mul3A_108 = vector.broadcast %mul3A_107 : f32 to vector<16xf32>
        %mul3A_109 = arith.mulf %add3A_106, %mul3A_108 : vector<16xf32>
        %swap3A = arith.constant 0 : i32
        %swap3A_110 = arith.index_cast %scan3A_61 : i32 to index
        %swap3A_111 = arith.index_cast %swap3A : i32 to index
        %swap3A_112 = arith.constant 0 : index
        %swap3A_113 = tpu.vector_load %arg6[%swap3A_110, %swap3A_111, %swap3A_112] {strides = array<i32>} : memref<8x2x128xf32, #tpu.memory_space<vmem>>, vector<1x1x16xf32>,
        %swap3A_114 = vector.shape_cast %swap3A_113 : vector<1x1x16xf32> to vector<16xf32>
        %swap3A_115 = vector.shape_cast %mul3A_109 : vector<16xf32> to vector<1x1x16xf32>
        tpu.vector_store %arg6[%swap3A_110, %swap3A_111, %swap3A_112], %swap3A_115 {strides = array<i32>} : memref<8x2x128xf32, #tpu.memory_space<vmem>>, vector<1x1x16xf32>,
        %get3A_116 = arith.constant 0 : i32
        %get3A_117 = arith.index_cast %sub3A_92 : i32 to index
        %get3A_118 = arith.index_cast %get3A_116 : i32 to index
        %get3A_119 = arith.constant 16 : index
        %get3A_120 = tpu.vector_load %arg5[%get3A_117, %get3A_118, %get3A_119] {strides = array<i32>} : memref<10x2x128xf32, #tpu.memory_space<vmem>>, vector<1x1x16xf32>,
        %get3A_121 = vector.shape_cast %get3A_120 : vector<1x1x16xf32> to vector<16xf32>
        %add3A_122 = arith.constant 1 : i32
        %add3A_123 = arith.addi %sub3A_92, %add3A_122 : i32
        %get3A_124 = arith.constant 0 : i32
        %get3A_125 = arith.index_cast %add3A_123 : i32 to index
        %get3A_126 = arith.index_cast %get3A_124 : i32 to index
        %get3A_127 = arith.constant 16 : index
        %get3A_128 = tpu.vector_load %arg5[%get3A_125, %get3A_126, %get3A_127] {strides = array<i32>} : memref<10x2x128xf32, #tpu.memory_space<vmem>>, vector<1x1x16xf32>,
        %get3A_129 = vector.shape_cast %get3A_128 : vector<1x1x16xf32> to vector<16xf32>
        %add3A_130 = arith.addf %get3A_121, %get3A_129 : vector<16xf32>
        %mul3A_131 = arith.constant 3.125000e-02 : f32
        %mul3A_132 = vector.broadcast %mul3A_131 : f32 to vector<16xf32>
        %mul3A_133 = arith.mulf %add3A_130, %mul3A_132 : vector<16xf32>
        %swap3A_134 = arith.constant 0 : i32
        %swap3A_135 = arith.index_cast %scan3A_61 : i32 to index
        %swap3A_136 = arith.index_cast %swap3A_134 : i32 to index
        %swap3A_137 = arith.constant 16 : index
        %swap3A_138 = tpu.vector_load %arg6[%swap3A_135, %swap3A_136, %swap3A_137] {strides = array<i32>} : memref<8x2x128xf32, #tpu.memory_space<vmem>>, vector<1x1x16xf32>,
        %swap3A_139 = vector.shape_cast %swap3A_138 : vector<1x1x16xf32> to vector<16xf32>
        %swap3A_140 = vector.shape_cast %mul3A_133 : vector<16xf32> to vector<1x1x16xf32>
        tpu.vector_store %arg6[%swap3A_135, %swap3A_136, %swap3A_137], %swap3A_140 {strides = array<i32>} : memref<8x2x128xf32, #tpu.memory_space<vmem>>, vector<1x1x16xf32>,
        %get3A_141 = arith.constant 0 : i32
        %get3A_142 = arith.index_cast %sub3A_92 : i32 to index
        %get3A_143 = arith.index_cast %get3A_141 : i32 to index
        %get3A_144 = arith.constant 32 : index
        %get3A_145 = tpu.vector_load %arg5[%get3A_142, %get3A_143, %get3A_144] {strides = array<i32>} : memref<10x2x128xf32, #tpu.memory_space<vmem>>, vector<1x1x16xf32>,
        %get3A_146 = vector.shape_cast %get3A_145 : vector<1x1x16xf32> to vector<16xf32>
        %add3A_147 = arith.constant 1 : i32
        %add3A_148 = arith.addi %sub3A_92, %add3A_147 : i32
        %get3A_149 = arith.constant 0 : i32
        %get3A_150 = arith.index_cast %add3A_148 : i32 to index
        %get3A_151 = arith.index_cast %get3A_149 : i32 to index
        %get3A_152 = arith.constant 32 : index
        %get3A_153 = tpu.vector_load %arg5[%get3A_150, %get3A_151, %get3A_152] {strides = array<i32>} : memref<10x2x128xf32, #tpu.memory_space<vmem>>, vector<1x1x16xf32>,
        %get3A_154 = vector.shape_cast %get3A_153 : vector<1x1x16xf32> to vector<16xf32>
        %add3A_155 = arith.addf %get3A_146, %get3A_154 : vector<16xf32>
        %mul3A_156 = arith.constant 3.125000e-02 : f32
        %mul3A_157 = vector.broadcast %mul3A_156 : f32 to vector<16xf32>
        %mul3A_158 = arith.mulf %add3A_155, %mul3A_157 : vector<16xf32>
        %swap3A_159 = arith.constant 0 : i32
        %swap3A_160 = arith.index_cast %scan3A_61 : i32 to index
        %swap3A_161 = arith.index_cast %swap3A_159 : i32 to index
        %swap3A_162 = arith.constant 32 : index
        %swap3A_163 = tpu.vector_load %arg6[%swap3A_160, %swap3A_161, %swap3A_162] {strides = array<i32>} : memref<8x2x128xf32, #tpu.memory_space<vmem>>, vector<1x1x16xf32>,
        %swap3A_164 = vector.shape_cast %swap3A_163 : vector<1x1x16xf32> to vector<16xf32>
        %swap3A_165 = vector.shape_cast %mul3A_158 : vector<16xf32> to vector<1x1x16xf32>
        tpu.vector_store %arg6[%swap3A_160, %swap3A_161, %swap3A_162], %swap3A_165 {strides = array<i32>} : memref<8x2x128xf32, #tpu.memory_space<vmem>>, vector<1x1x16xf32>,
        %get3A_166 = arith.constant 0 : i32
        %get3A_167 = arith.index_cast %sub3A_92 : i32 to index
        %get3A_168 = arith.index_cast %get3A_166 : i32 to index
        %get3A_169 = arith.constant 48 : index
        %get3A_170 = tpu.vector_load %arg5[%get3A_167, %get3A_168, %get3A_169] {strides = array<i32>} : memref<10x2x128xf32, #tpu.memory_space<vmem>>, vector<1x1x16xf32>,
        %get3A_171 = vector.shape_cast %get3A_170 : vector<1x1x16xf32> to vector<16xf32>
        %add3A_172 = arith.constant 1 : i32
        %add3A_173 = arith.addi %sub3A_92, %add3A_172 : i32
        %get3A_174 = arith.constant 0 : i32
        %get3A_175 = arith.index_cast %add3A_173 : i32 to index
        %get3A_176 = arith.index_cast %get3A_174 : i32 to index
        %get3A_177 = arith.constant 48 : index
        %get3A_178 = tpu.vector_load %arg5[%get3A_175, %get3A_176, %get3A_177] {strides = array<i32>} : memref<10x2x128xf32, #tpu.memory_space<vmem>>, vector<1x1x16xf32>,
        %get3A_179 = vector.shape_cast %get3A_178 : vector<1x1x16xf32> to vector<16xf32>
        %add3A_180 = arith.addf %get3A_171, %get3A_179 : vector<16xf32>
        %mul3A_181 = arith.constant 3.125000e-02 : f32
        %mul3A_182 = vector.broadcast %mul3A_181 : f32 to vector<16xf32>
        %mul3A_183 = arith.mulf %add3A_180, %mul3A_182 : vector<16xf32>
        %swap3A_184 = arith.constant 0 : i32
        %swap3A_185 = arith.index_cast %scan3A_61 : i32 to index
        %swap3A_186 = arith.index_cast %swap3A_184 : i32 to index
        %swap3A_187 = arith.constant 48 : index
        %swap3A_188 = tpu.vector_load %arg6[%swap3A_185, %swap3A_186, %swap3A_187] {strides = array<i32>} : memref<8x2x128xf32, #tpu.memory_space<vmem>>, vector<1x1x16xf32>,
        %swap3A_189 = vector.shape_cast %swap3A_188 : vector<1x1x16xf32> to vector<16xf32>
        %swap3A_190 = vector.shape_cast %mul3A_183 : vector<16xf32> to vector<1x1x16xf32>
        tpu.vector_store %arg6[%swap3A_185, %swap3A_186, %swap3A_187], %swap3A_190 {strides = array<i32>} : memref<8x2x128xf32, #tpu.memory_space<vmem>>, vector<1x1x16xf32>,
        %get3A_191 = arith.constant 0 : i32
        %get3A_192 = arith.index_cast %sub3A_92 : i32 to index
        %get3A_193 = arith.index_cast %get3A_191 : i32 to index
        %get3A_194 = arith.constant 64 : index
        %get3A_195 = tpu.vector_load %arg5[%get3A_192, %get3A_193, %get3A_194] {strides = array<i32>} : memref<10x2x128xf32, #tpu.memory_space<vmem>>, vector<1x1x16xf32>,
        %get3A_196 = vector.shape_cast %get3A_195 : vector<1x1x16xf32> to vector<16xf32>
        %add3A_197 = arith.constant 1 : i32
        %add3A_198 = arith.addi %sub3A_92, %add3A_197 : i32
        %get3A_199 = arith.constant 0 : i32
        %get3A_200 = arith.index_cast %add3A_198 : i32 to index
        %get3A_201 = arith.index_cast %get3A_199 : i32 to index
        %get3A_202 = arith.constant 64 : index
        %get3A_203 = tpu.vector_load %arg5[%get3A_200, %get3A_201, %get3A_202] {strides = array<i32>} : memref<10x2x128xf32, #tpu.memory_space<vmem>>, vector<1x1x16xf32>,
        %get3A_204 = vector.shape_cast %get3A_203 : vector<1x1x16xf32> to vector<16xf32>
        %add3A_205 = arith.addf %get3A_196, %get3A_204 : vector<16xf32>
        %mul3A_206 = arith.constant 3.125000e-02 : f32
        %mul3A_207 = vector.broadcast %mul3A_206 : f32 to vector<16xf32>
        %mul3A_208 = arith.mulf %add3A_205, %mul3A_207 : vector<16xf32>
        %swap3A_209 = arith.constant 0 : i32
        %swap3A_210 = arith.index_cast %scan3A_61 : i32 to index
        %swap3A_211 = arith.index_cast %swap3A_209 : i32 to index
        %swap3A_212 = arith.constant 64 : index
        %swap3A_213 = tpu.vector_load %arg6[%swap3A_210, %swap3A_211, %swap3A_212] {strides = array<i32>} : memref<8x2x128xf32, #tpu.memory_space<vmem>>, vector<1x1x16xf32>,
        %swap3A_214 = vector.shape_cast %swap3A_213 : vector<1x1x16xf32> to vector<16xf32>
        %swap3A_215 = vector.shape_cast %mul3A_208 : vector<16xf32> to vector<1x1x16xf32>
        tpu.vector_store %arg6[%swap3A_210, %swap3A_211, %swap3A_212], %swap3A_215 {strides = array<i32>} : memref<8x2x128xf32, #tpu.memory_space<vmem>>, vector<1x1x16xf32>,
        %get3A_216 = arith.constant 0 : i32
        %get3A_217 = arith.index_cast %sub3A_92 : i32 to index
        %get3A_218 = arith.index_cast %get3A_216 : i32 to index
        %get3A_219 = arith.constant 80 : index
        %get3A_220 = tpu.vector_load %arg5[%get3A_217, %get3A_218, %get3A_219] {strides = array<i32>} : memref<10x2x128xf32, #tpu.memory_space<vmem>>, vector<1x1x16xf32>,
        %get3A_221 = vector.shape_cast %get3A_220 : vector<1x1x16xf32> to vector<16xf32>
        %add3A_222 = arith.constant 1 : i32
        %add3A_223 = arith.addi %sub3A_92, %add3A_222 : i32
        %get3A_224 = arith.constant 0 : i32
        %get3A_225 = arith.index_cast %add3A_223 : i32 to index
        %get3A_226 = arith.index_cast %get3A_224 : i32 to index
        %get3A_227 = arith.constant 80 : index
        %get3A_228 = tpu.vector_load %arg5[%get3A_225, %get3A_226, %get3A_227] {strides = array<i32>} : memref<10x2x128xf32, #tpu.memory_space<vmem>>, vector<1x1x16xf32>,
        %get3A_229 = vector.shape_cast %get3A_228 : vector<1x1x16xf32> to vector<16xf32>
        %add3A_230 = arith.addf %get3A_221, %get3A_229 : vector<16xf32>
        %mul3A_231 = arith.constant 3.125000e-02 : f32
        %mul3A_232 = vector.broadcast %mul3A_231 : f32 to vector<16xf32>
        %mul3A_233 = arith.mulf %add3A_230, %mul3A_232 : vector<16xf32>
        %swap3A_234 = arith.constant 0 : i32
        %swap3A_235 = arith.index_cast %scan3A_61 : i32 to index
        %swap3A_236 = arith.index_cast %swap3A_234 : i32 to index
        %swap3A_237 = arith.constant 80 : index
        %swap3A_238 = tpu.vector_load %arg6[%swap3A_235, %swap3A_236, %swap3A_237] {strides = array<i32>} : memref<8x2x128xf32, #tpu.memory_space<vmem>>, vector<1x1x16xf32>,
        %swap3A_239 = vector.shape_cast %swap3A_238 : vector<1x1x16xf32> to vector<16xf32>
        %swap3A_240 = vector.shape_cast %mul3A_233 : vector<16xf32> to vector<1x1x16xf32>
        tpu.vector_store %arg6[%swap3A_235, %swap3A_236, %swap3A_237], %swap3A_240 {strides = array<i32>} : memref<8x2x128xf32, #tpu.memory_space<vmem>>, vector<1x1x16xf32>,
        %get3A_241 = arith.constant 0 : i32
        %get3A_242 = arith.index_cast %sub3A_92 : i32 to index
        %get3A_243 = arith.index_cast %get3A_241 : i32 to index
        %get3A_244 = arith.constant 96 : index
        %get3A_245 = tpu.vector_load %arg5[%get3A_242, %get3A_243, %get3A_244] {strides = array<i32>} : memref<10x2x128xf32, #tpu.memory_space<vmem>>, vector<1x1x16xf32>,
        %get3A_246 = vector.shape_cast %get3A_245 : vector<1x1x16xf32> to vector<16xf32>
        %add3A_247 = arith.constant 1 : i32
        %add3A_248 = arith.addi %sub3A_92, %add3A_247 : i32
        %get3A_249 = arith.constant 0 : i32
        %get3A_250 = arith.index_cast %add3A_248 : i32 to index
        %get3A_251 = arith.index_cast %get3A_249 : i32 to index
        %get3A_252 = arith.constant 96 : index
        %get3A_253 = tpu.vector_load %arg5[%get3A_250, %get3A_251, %get3A_252] {strides = array<i32>} : memref<10x2x128xf32, #tpu.memory_space<vmem>>, vector<1x1x16xf32>,
        %get3A_254 = vector.shape_cast %get3A_253 : vector<1x1x16xf32> to vector<16xf32>
        %add3A_255 = arith.addf %get3A_246, %get3A_254 : vector<16xf32>
        %mul3A_256 = arith.constant 3.125000e-02 : f32
        %mul3A_257 = vector.broadcast %mul3A_256 : f32 to vector<16xf32>
        %mul3A_258 = arith.mulf %add3A_255, %mul3A_257 : vector<16xf32>
        %swap3A_259 = arith.constant 0 : i32
        %swap3A_260 = arith.index_cast %scan3A_61 : i32 to index
        %swap3A_261 = arith.index_cast %swap3A_259 : i32 to index
        %swap3A_262 = arith.constant 96 : index
        %swap3A_263 = tpu.vector_load %arg6[%swap3A_260, %swap3A_261, %swap3A_262] {strides = array<i32>} : memref<8x2x128xf32, #tpu.memory_space<vmem>>, vector<1x1x16xf32>,
        %swap3A_264 = vector.shape_cast %swap3A_263 : vector<1x1x16xf32> to vector<16xf32>
        %swap3A_265 = vector.shape_cast %mul3A_258 : vector<16xf32> to vector<1x1x16xf32>
        tpu.vector_store %arg6[%swap3A_260, %swap3A_261, %swap3A_262], %swap3A_265 {strides = array<i32>} : memref<8x2x128xf32, #tpu.memory_space<vmem>>, vector<1x1x16xf32>,
        %get3A_266 = arith.constant 0 : i32
        %get3A_267 = arith.index_cast %sub3A_92 : i32 to index
        %get3A_268 = arith.index_cast %get3A_266 : i32 to index
        %get3A_269 = arith.constant 112 : index
        %get3A_270 = tpu.vector_load %arg5[%get3A_267, %get3A_268, %get3A_269] {strides = array<i32>} : memref<10x2x128xf32, #tpu.memory_space<vmem>>, vector<1x1x16xf32>,
        %get3A_271 = vector.shape_cast %get3A_270 : vector<1x1x16xf32> to vector<16xf32>
        %add3A_272 = arith.constant 1 : i32
        %add3A_273 = arith.addi %sub3A_92, %add3A_272 : i32
        %get3A_274 = arith.constant 0 : i32
        %get3A_275 = arith.index_cast %add3A_273 : i32 to index
        %get3A_276 = arith.index_cast %get3A_274 : i32 to index
        %get3A_277 = arith.constant 112 : index
        %get3A_278 = tpu.vector_load %arg5[%get3A_275, %get3A_276, %get3A_277] {strides = array<i32>} : memref<10x2x128xf32, #tpu.memory_space<vmem>>, vector<1x1x16xf32>,
        %get3A_279 = vector.shape_cast %get3A_278 : vector<1x1x16xf32> to vector<16xf32>
        %add3A_280 = arith.addf %get3A_271, %get3A_279 : vector<16xf32>
        %mul3A_281 = arith.constant 3.125000e-02 : f32
        %mul3A_282 = vector.broadcast %mul3A_281 : f32 to vector<16xf32>
        %mul3A_283 = arith.mulf %add3A_280, %mul3A_282 : vector<16xf32>
        %swap3A_284 = arith.constant 0 : i32
        %swap3A_285 = arith.index_cast %scan3A_61 : i32 to index
        %swap3A_286 = arith.index_cast %swap3A_284 : i32 to index
        %swap3A_287 = arith.constant 112 : index
        %swap3A_288 = tpu.vector_load %arg6[%swap3A_285, %swap3A_286, %swap3A_287] {strides = array<i32>} : memref<8x2x128xf32, #tpu.memory_space<vmem>>, vector<1x1x16xf32>,
        %swap3A_289 = vector.shape_cast %swap3A_288 : vector<1x1x16xf32> to vector<16xf32>
        %swap3A_290 = vector.shape_cast %mul3A_283 : vector<16xf32> to vector<1x1x16xf32>
        tpu.vector_store %arg6[%swap3A_285, %swap3A_286, %swap3A_287], %swap3A_290 {strides = array<i32>} : memref<8x2x128xf32, #tpu.memory_space<vmem>>, vector<1x1x16xf32>,
        %get3A_291 = arith.constant 1 : i32
        %get3A_292 = arith.index_cast %sub3A_92 : i32 to index
        %get3A_293 = arith.index_cast %get3A_291 : i32 to index
        %get3A_294 = arith.constant 0 : index
        %get3A_295 = tpu.vector_load %arg5[%get3A_292, %get3A_293, %get3A_294] {strides = array<i32>} : memref<10x2x128xf32, #tpu.memory_space<vmem>>, vector<1x1x16xf32>,
        %get3A_296 = vector.shape_cast %get3A_295 : vector<1x1x16xf32> to vector<16xf32>
        %add3A_297 = arith.constant 1 : i32
        %add3A_298 = arith.addi %sub3A_92, %add3A_297 : i32
        %get3A_299 = arith.constant 1 : i32
        %get3A_300 = arith.index_cast %add3A_298 : i32 to index
        %get3A_301 = arith.index_cast %get3A_299 : i32 to index
        %get3A_302 = arith.constant 0 : index
        %get3A_303 = tpu.vector_load %arg5[%get3A_300, %get3A_301, %get3A_302] {strides = array<i32>} : memref<10x2x128xf32, #tpu.memory_space<vmem>>, vector<1x1x16xf32>,
        %get3A_304 = vector.shape_cast %get3A_303 : vector<1x1x16xf32> to vector<16xf32>
        %add3A_305 = arith.addf %get3A_296, %get3A_304 : vector<16xf32>
        %mul3A_306 = arith.constant 3.125000e-02 : f32
        %mul3A_307 = vector.broadcast %mul3A_306 : f32 to vector<16xf32>
        %mul3A_308 = arith.mulf %add3A_305, %mul3A_307 : vector<16xf32>
        %swap3A_309 = arith.constant 1 : i32
        %swap3A_310 = arith.index_cast %scan3A_61 : i32 to index
        %swap3A_311 = arith.index_cast %swap3A_309 : i32 to index
        %swap3A_312 = arith.constant 0 : index
        %swap3A_313 = tpu.vector_load %arg6[%swap3A_310, %swap3A_311, %swap3A_312] {strides = array<i32>} : memref<8x2x128xf32, #tpu.memory_space<vmem>>, vector<1x1x16xf32>,
        %swap3A_314 = vector.shape_cast %swap3A_313 : vector<1x1x16xf32> to vector<16xf32>
        %swap3A_315 = vector.shape_cast %mul3A_308 : vector<16xf32> to vector<1x1x16xf32>
        tpu.vector_store %arg6[%swap3A_310, %swap3A_311, %swap3A_312], %swap3A_315 {strides = array<i32>} : memref<8x2x128xf32, #tpu.memory_space<vmem>>, vector<1x1x16xf32>,
        %get3A_316 = arith.constant 1 : i32
        %get3A_317 = arith.index_cast %sub3A_92 : i32 to index
        %get3A_318 = arith.index_cast %get3A_316 : i32 to index
        %get3A_319 = arith.constant 16 : index
        %get3A_320 = tpu.vector_load %arg5[%get3A_317, %get3A_318, %get3A_319] {strides = array<i32>} : memref<10x2x128xf32, #tpu.memory_space<vmem>>, vector<1x1x16xf32>,
        %get3A_321 = vector.shape_cast %get3A_320 : vector<1x1x16xf32> to vector<16xf32>
        %add3A_322 = arith.constant 1 : i32
        %add3A_323 = arith.addi %sub3A_92, %add3A_322 : i32
        %get3A_324 = arith.constant 1 : i32
        %get3A_325 = arith.index_cast %add3A_323 : i32 to index
        %get3A_326 = arith.index_cast %get3A_324 : i32 to index
        %get3A_327 = arith.constant 16 : index
        %get3A_328 = tpu.vector_load %arg5[%get3A_325, %get3A_326, %get3A_327] {strides = array<i32>} : memref<10x2x128xf32, #tpu.memory_space<vmem>>, vector<1x1x16xf32>,
        %get3A_329 = vector.shape_cast %get3A_328 : vector<1x1x16xf32> to vector<16xf32>
        %add3A_330 = arith.addf %get3A_321, %get3A_329 : vector<16xf32>
        %mul3A_331 = arith.constant 3.125000e-02 : f32
        %mul3A_332 = vector.broadcast %mul3A_331 : f32 to vector<16xf32>
        %mul3A_333 = arith.mulf %add3A_330, %mul3A_332 : vector<16xf32>
        %swap3A_334 = arith.constant 1 : i32
        %swap3A_335 = arith.index_cast %scan3A_61 : i32 to index
        %swap3A_336 = arith.index_cast %swap3A_334 : i32 to index
        %swap3A_337 = arith.constant 16 : index
        %swap3A_338 = tpu.vector_load %arg6[%swap3A_335, %swap3A_336, %swap3A_337] {strides = array<i32>} : memref<8x2x128xf32, #tpu.memory_space<vmem>>, vector<1x1x16xf32>,
        %swap3A_339 = vector.shape_cast %swap3A_338 : vector<1x1x16xf32> to vector<16xf32>
        %swap3A_340 = vector.shape_cast %mul3A_333 : vector<16xf32> to vector<1x1x16xf32>
        tpu.vector_store %arg6[%swap3A_335, %swap3A_336, %swap3A_337], %swap3A_340 {strides = array<i32>} : memref<8x2x128xf32, #tpu.memory_space<vmem>>, vector<1x1x16xf32>,
        %get3A_341 = arith.constant 1 : i32
        %get3A_342 = arith.index_cast %sub3A_92 : i32 to index
        %get3A_343 = arith.index_cast %get3A_341 : i32 to index
        %get3A_344 = arith.constant 32 : index
        %get3A_345 = tpu.vector_load %arg5[%get3A_342, %get3A_343, %get3A_344] {strides = array<i32>} : memref<10x2x128xf32, #tpu.memory_space<vmem>>, vector<1x1x16xf32>,
        %get3A_346 = vector.shape_cast %get3A_345 : vector<1x1x16xf32> to vector<16xf32>
        %add3A_347 = arith.constant 1 : i32
        %add3A_348 = arith.addi %sub3A_92, %add3A_347 : i32
        %get3A_349 = arith.constant 1 : i32
        %get3A_350 = arith.index_cast %add3A_348 : i32 to index
        %get3A_351 = arith.index_cast %get3A_349 : i32 to index
        %get3A_352 = arith.constant 32 : index
        %get3A_353 = tpu.vector_load %arg5[%get3A_350, %get3A_351, %get3A_352] {strides = array<i32>} : memref<10x2x128xf32, #tpu.memory_space<vmem>>, vector<1x1x16xf32>,
        %get3A_354 = vector.shape_cast %get3A_353 : vector<1x1x16xf32> to vector<16xf32>
        %add3A_355 = arith.addf %get3A_346, %get3A_354 : vector<16xf32>
        %mul3A_356 = arith.constant 3.125000e-02 : f32
        %mul3A_357 = vector.broadcast %mul3A_356 : f32 to vector<16xf32>
        %mul3A_358 = arith.mulf %add3A_355, %mul3A_357 : vector<16xf32>
        %swap3A_359 = arith.constant 1 : i32
        %swap3A_360 = arith.index_cast %scan3A_61 : i32 to index
        %swap3A_361 = arith.index_cast %swap3A_359 : i32 to index
        %swap3A_362 = arith.constant 32 : index
        %swap3A_363 = tpu.vector_load %arg6[%swap3A_360, %swap3A_361, %swap3A_362] {strides = array<i32>} : memref<8x2x128xf32, #tpu.memory_space<vmem>>, vector<1x1x16xf32>,
        %swap3A_364 = vector.shape_cast %swap3A_363 : vector<1x1x16xf32> to vector<16xf32>
        %swap3A_365 = vector.shape_cast %mul3A_358 : vector<16xf32> to vector<1x1x16xf32>
        tpu.vector_store %arg6[%swap3A_360, %swap3A_361, %swap3A_362], %swap3A_365 {strides = array<i32>} : memref<8x2x128xf32, #tpu.memory_space<vmem>>, vector<1x1x16xf32>,
        %get3A_366 = arith.constant 1 : i32
        %get3A_367 = arith.index_cast %sub3A_92 : i32 to index
        %get3A_368 = arith.index_cast %get3A_366 : i32 to index
        %get3A_369 = arith.constant 48 : index
        %get3A_370 = tpu.vector_load %arg5[%get3A_367, %get3A_368, %get3A_369] {strides = array<i32>} : memref<10x2x128xf32, #tpu.memory_space<vmem>>, vector<1x1x16xf32>,
        %get3A_371 = vector.shape_cast %get3A_370 : vector<1x1x16xf32> to vector<16xf32>
        %add3A_372 = arith.constant 1 : i32
        %add3A_373 = arith.addi %sub3A_92, %add3A_372 : i32
        %get3A_374 = arith.constant 1 : i32
        %get3A_375 = arith.index_cast %add3A_373 : i32 to index
        %get3A_376 = arith.index_cast %get3A_374 : i32 to index
        %get3A_377 = arith.constant 48 : index
        %get3A_378 = tpu.vector_load %arg5[%get3A_375, %get3A_376, %get3A_377] {strides = array<i32>} : memref<10x2x128xf32, #tpu.memory_space<vmem>>, vector<1x1x16xf32>,
        %get3A_379 = vector.shape_cast %get3A_378 : vector<1x1x16xf32> to vector<16xf32>
        %add3A_380 = arith.addf %get3A_371, %get3A_379 : vector<16xf32>
        %mul3A_381 = arith.constant 3.125000e-02 : f32
        %mul3A_382 = vector.broadcast %mul3A_381 : f32 to vector<16xf32>
        %mul3A_383 = arith.mulf %add3A_380, %mul3A_382 : vector<16xf32>
        %swap3A_384 = arith.constant 1 : i32
        %swap3A_385 = arith.index_cast %scan3A_61 : i32 to index
        %swap3A_386 = arith.index_cast %swap3A_384 : i32 to index
        %swap3A_387 = arith.constant 48 : index
        %swap3A_388 = tpu.vector_load %arg6[%swap3A_385, %swap3A_386, %swap3A_387] {strides = array<i32>} : memref<8x2x128xf32, #tpu.memory_space<vmem>>, vector<1x1x16xf32>,
        %swap3A_389 = vector.shape_cast %swap3A_388 : vector<1x1x16xf32> to vector<16xf32>
        %swap3A_390 = vector.shape_cast %mul3A_383 : vector<16xf32> to vector<1x1x16xf32>
        tpu.vector_store %arg6[%swap3A_385, %swap3A_386, %swap3A_387], %swap3A_390 {strides = array<i32>} : memref<8x2x128xf32, #tpu.memory_space<vmem>>, vector<1x1x16xf32>,
        %get3A_391 = arith.constant 1 : i32
        %get3A_392 = arith.index_cast %sub3A_92 : i32 to index
        %get3A_393 = arith.index_cast %get3A_391 : i32 to index
        %get3A_394 = arith.constant 64 : index
        %get3A_395 = tpu.vector_load %arg5[%get3A_392, %get3A_393, %get3A_394] {strides = array<i32>} : memref<10x2x128xf32, #tpu.memory_space<vmem>>, vector<1x1x16xf32>,
        %get3A_396 = vector.shape_cast %get3A_395 : vector<1x1x16xf32> to vector<16xf32>
        %add3A_397 = arith.constant 1 : i32
        %add3A_398 = arith.addi %sub3A_92, %add3A_397 : i32
        %get3A_399 = arith.constant 1 : i32
        %get3A_400 = arith.index_cast %add3A_398 : i32 to index
        %get3A_401 = arith.index_cast %get3A_399 : i32 to index
        %get3A_402 = arith.constant 64 : index
        %get3A_403 = tpu.vector_load %arg5[%get3A_400, %get3A_401, %get3A_402] {strides = array<i32>} : memref<10x2x128xf32, #tpu.memory_space<vmem>>, vector<1x1x16xf32>,
        %get3A_404 = vector.shape_cast %get3A_403 : vector<1x1x16xf32> to vector<16xf32>
        %add3A_405 = arith.addf %get3A_396, %get3A_404 : vector<16xf32>
        %mul3A_406 = arith.constant 3.125000e-02 : f32
        %mul3A_407 = vector.broadcast %mul3A_406 : f32 to vector<16xf32>
        %mul3A_408 = arith.mulf %add3A_405, %mul3A_407 : vector<16xf32>
        %swap3A_409 = arith.constant 1 : i32
        %swap3A_410 = arith.index_cast %scan3A_61 : i32 to index
        %swap3A_411 = arith.index_cast %swap3A_409 : i32 to index
        %swap3A_412 = arith.constant 64 : index
        %swap3A_413 = tpu.vector_load %arg6[%swap3A_410, %swap3A_411, %swap3A_412] {strides = array<i32>} : memref<8x2x128xf32, #tpu.memory_space<vmem>>, vector<1x1x16xf32>,
        %swap3A_414 = vector.shape_cast %swap3A_413 : vector<1x1x16xf32> to vector<16xf32>
        %swap3A_415 = vector.shape_cast %mul3A_408 : vector<16xf32> to vector<1x1x16xf32>
        tpu.vector_store %arg6[%swap3A_410, %swap3A_411, %swap3A_412], %swap3A_415 {strides = array<i32>} : memref<8x2x128xf32, #tpu.memory_space<vmem>>, vector<1x1x16xf32>,
        %get3A_416 = arith.constant 1 : i32
        %get3A_417 = arith.index_cast %sub3A_92 : i32 to index
        %get3A_418 = arith.index_cast %get3A_416 : i32 to index
        %get3A_419 = arith.constant 80 : index
        %get3A_420 = tpu.vector_load %arg5[%get3A_417, %get3A_418, %get3A_419] {strides = array<i32>} : memref<10x2x128xf32, #tpu.memory_space<vmem>>, vector<1x1x16xf32>,
        %get3A_421 = vector.shape_cast %get3A_420 : vector<1x1x16xf32> to vector<16xf32>
        %add3A_422 = arith.constant 1 : i32
        %add3A_423 = arith.addi %sub3A_92, %add3A_422 : i32
        %get3A_424 = arith.constant 1 : i32
        %get3A_425 = arith.index_cast %add3A_423 : i32 to index
        %get3A_426 = arith.index_cast %get3A_424 : i32 to index
        %get3A_427 = arith.constant 80 : index
        %get3A_428 = tpu.vector_load %arg5[%get3A_425, %get3A_426, %get3A_427] {strides = array<i32>} : memref<10x2x128xf32, #tpu.memory_space<vmem>>, vector<1x1x16xf32>,
        %get3A_429 = vector.shape_cast %get3A_428 : vector<1x1x16xf32> to vector<16xf32>
        %add3A_430 = arith.addf %get3A_421, %get3A_429 : vector<16xf32>
        %mul3A_431 = arith.constant 3.125000e-02 : f32
        %mul3A_432 = vector.broadcast %mul3A_431 : f32 to vector<16xf32>
        %mul3A_433 = arith.mulf %add3A_430, %mul3A_432 : vector<16xf32>
        %swap3A_434 = arith.constant 1 : i32
        %swap3A_435 = arith.index_cast %scan3A_61 : i32 to index
        %swap3A_436 = arith.index_cast %swap3A_434 : i32 to index
        %swap3A_437 = arith.constant 80 : index
        %swap3A_438 = tpu.vector_load %arg6[%swap3A_435, %swap3A_436, %swap3A_437] {strides = array<i32>} : memref<8x2x128xf32, #tpu.memory_space<vmem>>, vector<1x1x16xf32>,
        %swap3A_439 = vector.shape_cast %swap3A_438 : vector<1x1x16xf32> to vector<16xf32>
        %swap3A_440 = vector.shape_cast %mul3A_433 : vector<16xf32> to vector<1x1x16xf32>
        tpu.vector_store %arg6[%swap3A_435, %swap3A_436, %swap3A_437], %swap3A_440 {strides = array<i32>} : memref<8x2x128xf32, #tpu.memory_space<vmem>>, vector<1x1x16xf32>,
        %get3A_441 = arith.constant 1 : i32
        %get3A_442 = arith.index_cast %sub3A_92 : i32 to index
        %get3A_443 = arith.index_cast %get3A_441 : i32 to index
        %get3A_444 = arith.constant 96 : index
        %get3A_445 = tpu.vector_load %arg5[%get3A_442, %get3A_443, %get3A_444] {strides = array<i32>} : memref<10x2x128xf32, #tpu.memory_space<vmem>>, vector<1x1x16xf32>,
        %get3A_446 = vector.shape_cast %get3A_445 : vector<1x1x16xf32> to vector<16xf32>
        %add3A_447 = arith.constant 1 : i32
        %add3A_448 = arith.addi %sub3A_92, %add3A_447 : i32
        %get3A_449 = arith.constant 1 : i32
        %get3A_450 = arith.index_cast %add3A_448 : i32 to index
        %get3A_451 = arith.index_cast %get3A_449 : i32 to index
        %get3A_452 = arith.constant 96 : index
        %get3A_453 = tpu.vector_load %arg5[%get3A_450, %get3A_451, %get3A_452] {strides = array<i32>} : memref<10x2x128xf32, #tpu.memory_space<vmem>>, vector<1x1x16xf32>,
        %get3A_454 = vector.shape_cast %get3A_453 : vector<1x1x16xf32> to vector<16xf32>
        %add3A_455 = arith.addf %get3A_446, %get3A_454 : vector<16xf32>
        %mul3A_456 = arith.constant 3.125000e-02 : f32
        %mul3A_457 = vector.broadcast %mul3A_456 : f32 to vector<16xf32>
        %mul3A_458 = arith.mulf %add3A_455, %mul3A_457 : vector<16xf32>
        %swap3A_459 = arith.constant 1 : i32
        %swap3A_460 = arith.index_cast %scan3A_61 : i32 to index
        %swap3A_461 = arith.index_cast %swap3A_459 : i32 to index
        %swap3A_462 = arith.constant 96 : index
        %swap3A_463 = tpu.vector_load %arg6[%swap3A_460, %swap3A_461, %swap3A_462] {strides = array<i32>} : memref<8x2x128xf32, #tpu.memory_space<vmem>>, vector<1x1x16xf32>,
        %swap3A_464 = vector.shape_cast %swap3A_463 : vector<1x1x16xf32> to vector<16xf32>
        %swap3A_465 = vector.shape_cast %mul3A_458 : vector<16xf32> to vector<1x1x16xf32>
        tpu.vector_store %arg6[%swap3A_460, %swap3A_461, %swap3A_462], %swap3A_465 {strides = array<i32>} : memref<8x2x128xf32, #tpu.memory_space<vmem>>, vector<1x1x16xf32>,
        %get3A_466 = arith.constant 1 : i32
        %get3A_467 = arith.index_cast %sub3A_92 : i32 to index
        %get3A_468 = arith.index_cast %get3A_466 : i32 to index
        %get3A_469 = arith.constant 112 : index
        %get3A_470 = tpu.vector_load %arg5[%get3A_467, %get3A_468, %get3A_469] {strides = array<i32>} : memref<10x2x128xf32, #tpu.memory_space<vmem>>, vector<1x1x16xf32>,
        %get3A_471 = vector.shape_cast %get3A_470 : vector<1x1x16xf32> to vector<16xf32>
        %add3A_472 = arith.constant 1 : i32
        %add3A_473 = arith.addi %sub3A_92, %add3A_472 : i32
        %get3A_474 = arith.constant 1 : i32
        %get3A_475 = arith.index_cast %add3A_473 : i32 to index
        %get3A_476 = arith.index_cast %get3A_474 : i32 to index
        %get3A_477 = arith.constant 112 : index
        %get3A_478 = tpu.vector_load %arg5[%get3A_475, %get3A_476, %get3A_477] {strides = array<i32>} : memref<10x2x128xf32, #tpu.memory_space<vmem>>, vector<1x1x16xf32>,
        %get3A_479 = vector.shape_cast %get3A_478 : vector<1x1x16xf32> to vector<16xf32>
        %add3A_480 = arith.addf %get3A_471, %get3A_479 : vector<16xf32>
        %mul3A_481 = arith.constant 3.125000e-02 : f32
        %mul3A_482 = vector.broadcast %mul3A_481 : f32 to vector<16xf32>
        %mul3A_483 = arith.mulf %add3A_480, %mul3A_482 : vector<16xf32>
        %swap3A_484 = arith.constant 1 : i32
        %swap3A_485 = arith.index_cast %scan3A_61 : i32 to index
        %swap3A_486 = arith.index_cast %swap3A_484 : i32 to index
        %swap3A_487 = arith.constant 112 : index
        %swap3A_488 = tpu.vector_load %arg6[%swap3A_485, %swap3A_486, %swap3A_487] {strides = array<i32>} : memref<8x2x128xf32, #tpu.memory_space<vmem>>, vector<1x1x16xf32>,
        %swap3A_489 = vector.shape_cast %swap3A_488 : vector<1x1x16xf32> to vector<16xf32>
        %swap3A_490 = vector.shape_cast %mul3A_483 : vector<16xf32> to vector<1x1x16xf32>
        tpu.vector_store %arg6[%swap3A_485, %swap3A_486, %swap3A_487], %swap3A_490 {strides = array<i32>} : memref<8x2x128xf32, #tpu.memory_space<vmem>>, vector<1x1x16xf32>,
        %scan3A_491 = arith.constant 0 : i32
        scf.yield %scan3A_491 : i32
      }
      %scan3A_59 = arith.constant 8 : i32
      %sub3A = arith.constant 768 : i32
      %sub3A_60 = arith.subi %add3A_4, %sub3A : i32
      "tpu.region"() ({
        %run_scoped3A = tpu.sem_alloc : memref<!tpu.dma_semaphore, #tpu.memory_space<semaphore_mem>>
        %dma_start3A = arith.constant 0 : i32
        %dma_start3A_61 = arith.constant 0 : i32
        %dma_start3A_62 = tpu.memref_slice %arg3[%sub3A_60, %dma_start3A, %dma_start3A_61] : memref<248x2x128xf32, #tpu.memory_space<hbm>> -> memref<8x2x128xf32, #tpu.memory_space<hbm>>
        %dma_start3A_63 = arith.constant 0 : i32
        %dma_start3A_64 = arith.constant 0 : i32
        %dma_start3A_65 = tpu.memref_slice %arg3[%sub3A_60, %dma_start3A_63, %dma_start3A_64] : memref<248x2x128xf32, #tpu.memory_space<hbm>> -> memref<8x2x128xf32, #tpu.memory_space<hbm>>
        tpu.enqueue_dma source(%arg6 : memref<8x2x128xf32, #tpu.memory_space<vmem>>) target(%dma_start3A_65 : memref<8x2x128xf32, #tpu.memory_space<hbm>>) target_semaphore(%run_scoped3A : memref<!tpu.dma_semaphore, #tpu.memory_space<semaphore_mem>>)
        %dma_wait3A_66 = arith.constant 0 : i32
        %dma_wait3A_67 = arith.constant 0 : i32
        %dma_wait3A_68 = tpu.memref_slice %arg3[%sub3A_60, %dma_wait3A_66, %dma_wait3A_67] : memref<248x2x128xf32, #tpu.memory_space<hbm>> -> memref<8x2x128xf32, #tpu.memory_space<hbm>>
        %dma_wait3A_69 = arith.constant 0 : i32
        %dma_wait3A_70 = arith.constant 0 : i32
        %dma_wait3A_71 = tpu.memref_slice %arg3[%sub3A_60, %dma_wait3A_69, %dma_wait3A_70] : memref<248x2x128xf32, #tpu.memory_space<hbm>> -> memref<8x2x128xf32, #tpu.memory_space<hbm>>
        tpu.wait_dma2 semaphore(%run_scoped3A : memref<!tpu.dma_semaphore, #tpu.memory_space<semaphore_mem>>) src(%arg6 : memref<8x2x128xf32, #tpu.memory_space<vmem>>) dst(%dma_wait3A_71 : memref<8x2x128xf32, #tpu.memory_space<hbm>>)
        tpu.yield
      }) : () -> ()
    } else {
    }
    return
  }
}

module attributes {stable_mosaic.version = 14 : i64} {
  func.func @_tc_body(%arg0: i32, %arg1: memref<3104x2x128xf32, #tpu.memory_space<vmem>>, %arg2: memref<768x2x128xf32, #tpu.memory_space<vmem>>, %arg3: memref<776x2x128xf32, #tpu.memory_space<vmem>>) attributes {dimension_semantics = [#tpu.dimension_semantics<arbitrary>], iteration_bounds = array<i64: 4>, scalar_prefetch = 0 : i64, scratch_operands = 1 : i64, tpu.core_type = #tpu.core_type<tc>, window_params = [{transform_indices = @transform_0, window_bounds = array<i64: 3104, 2, 128>}, {pipeline_mode = #tpu.pipeline_mode<synchronous>, transform_indices = @transform_1, window_bounds = array<i64: 768, 2, 128>}]} {
    %get3A = arith.constant 0 : index
    %get3A_0 = arith.constant 0 : index
    %get3A_1 = arith.constant 0 : index
    %get3A_2 = vector.load %arg1[%get3A, %get3A_0, %get3A_1] : memref<3104x2x128xf32, #tpu.memory_space<vmem>>, vector<3104x2x128xf32>
    %reshape3A = vector.shape_cast %get3A_2 : vector<3104x2x128xf32> to vector<194x16x2x128xf32>
    %reduce_sum3A = arith.constant dense<0.000000e+00> : vector<194x2x128xf32>
    %reduce_sum3A_3 = vector.multi_reduction <add>, %reshape3A, %reduce_sum3A [1] : vector<194x16x2x128xf32> to vector<194x2x128xf32>
    %mul3A = arith.constant 194 : i32
    %mul3A_4 = arith.muli %arg0, %mul3A : i32
    %swap3A = arith.index_cast %mul3A_4 : i32 to index
    %swap3A_5 = arith.constant 0 : index
    %swap3A_6 = arith.constant 0 : index
    %swap3A_7 = vector.load %arg3[%swap3A, %swap3A_5, %swap3A_6] : memref<776x2x128xf32, #tpu.memory_space<vmem>>, vector<194x2x128xf32>
    tpu.vector_store %arg3[%swap3A, %swap3A_5, %swap3A_6], %reduce_sum3A_3 {strides = array<i32>} : memref<776x2x128xf32, #tpu.memory_space<vmem>>, vector<194x2x128xf32>,
    %eq3A = arith.constant 3 : i32
    %eq3A_8 = arith.cmpi eq, %arg0, %eq3A : i32
    %convert_element_type3A = arith.extui %eq3A_8 : i1 to i32
    %cond3A = arith.constant 0 : i32
    %cond3A_9 = arith.cmpi ne, %convert_element_type3A, %cond3A : i32
    scf.if %cond3A_9 {
      %get3A_10 = arith.constant 0 : index
      %get3A_11 = arith.constant 0 : index
      %get3A_12 = arith.constant 0 : index
      %get3A_13 = vector.load %arg3[%get3A_10, %get3A_11, %get3A_12] : memref<776x2x128xf32, #tpu.memory_space<vmem>>, vector<776x2x128xf32>
      %slice3A = vector.extract_strided_slice %get3A_13 {offsets = [0, 0, 0], sizes = [774, 2, 128], strides = [1, 1, 1]} : vector<776x2x128xf32> to vector<774x2x128xf32>
      %slice3A_14 = vector.extract_strided_slice %get3A_13 {offsets = [1, 0, 0], sizes = [774, 2, 128], strides = [1, 1, 1]} : vector<776x2x128xf32> to vector<774x2x128xf32>
      %add3A = arith.addf %slice3A, %slice3A_14 : vector<774x2x128xf32>
      %mul3A_15 = arith.constant 3.125000e-02 : f32
      %mul3A_16 = vector.broadcast %mul3A_15 : f32 to vector<774x2x128xf32>
      %mul3A_17 = arith.mulf %add3A, %mul3A_16 : vector<774x2x128xf32>
      %slice3A_18 = vector.extract_strided_slice %mul3A_17 {offsets = [0, 0, 0], sizes = [63, 2, 128], strides = [1, 1, 1]} : vector<774x2x128xf32> to vector<63x2x128xf32>
      %swap3A_19 = arith.constant 0 : index
      %swap3A_20 = arith.constant 0 : index
      %swap3A_21 = arith.constant 0 : index
      %swap3A_22 = vector.load %arg2[%swap3A_19, %swap3A_20, %swap3A_21] : memref<768x2x128xf32, #tpu.memory_space<vmem>>, vector<63x2x128xf32>
      tpu.vector_store %arg2[%swap3A_19, %swap3A_20, %swap3A_21], %slice3A_18 {strides = array<i32>} : memref<768x2x128xf32, #tpu.memory_space<vmem>>, vector<63x2x128xf32>,
      %slice3A_23 = vector.extract_strided_slice %mul3A_17 {offsets = [64, 0, 0], sizes = [191, 2, 128], strides = [1, 1, 1]} : vector<774x2x128xf32> to vector<191x2x128xf32>
      %swap3A_24 = arith.constant 63 : index
      %swap3A_25 = arith.constant 0 : index
      %swap3A_26 = arith.constant 0 : index
      %swap3A_27 = vector.load %arg2[%swap3A_24, %swap3A_25, %swap3A_26] : memref<768x2x128xf32, #tpu.memory_space<vmem>>, vector<191x2x128xf32>
      tpu.vector_store %arg2[%swap3A_24, %swap3A_25, %swap3A_26], %slice3A_23 {strides = array<i32>} : memref<768x2x128xf32, #tpu.memory_space<vmem>>, vector<191x2x128xf32>,
      %slice3A_28 = vector.extract_strided_slice %mul3A_17 {offsets = [256, 0, 0], sizes = [127, 2, 128], strides = [1, 1, 1]} : vector<774x2x128xf32> to vector<127x2x128xf32>
      %swap3A_29 = arith.constant 254 : index
      %swap3A_30 = arith.constant 0 : index
      %swap3A_31 = arith.constant 0 : index
      %swap3A_32 = vector.load %arg2[%swap3A_29, %swap3A_30, %swap3A_31] : memref<768x2x128xf32, #tpu.memory_space<vmem>>, vector<127x2x128xf32>
      tpu.vector_store %arg2[%swap3A_29, %swap3A_30, %swap3A_31], %slice3A_28 {strides = array<i32>} : memref<768x2x128xf32, #tpu.memory_space<vmem>>, vector<127x2x128xf32>,
      %slice3A_33 = vector.extract_strided_slice %mul3A_17 {offsets = [384, 0, 0], sizes = [127, 2, 128], strides = [1, 1, 1]} : vector<774x2x128xf32> to vector<127x2x128xf32>
      %swap3A_34 = arith.constant 381 : index
      %swap3A_35 = arith.constant 0 : index
      %swap3A_36 = arith.constant 0 : index
      %swap3A_37 = vector.load %arg2[%swap3A_34, %swap3A_35, %swap3A_36] : memref<768x2x128xf32, #tpu.memory_space<vmem>>, vector<127x2x128xf32>
      tpu.vector_store %arg2[%swap3A_34, %swap3A_35, %swap3A_36], %slice3A_33 {strides = array<i32>} : memref<768x2x128xf32, #tpu.memory_space<vmem>>, vector<127x2x128xf32>,
      %slice3A_38 = vector.extract_strided_slice %mul3A_17 {offsets = [512, 0, 0], sizes = [31, 2, 128], strides = [1, 1, 1]} : vector<774x2x128xf32> to vector<31x2x128xf32>
      %swap3A_39 = arith.constant 508 : index
      %swap3A_40 = arith.constant 0 : index
      %swap3A_41 = arith.constant 0 : index
      %swap3A_42 = vector.load %arg2[%swap3A_39, %swap3A_40, %swap3A_41] : memref<768x2x128xf32, #tpu.memory_space<vmem>>, vector<31x2x128xf32>
      tpu.vector_store %arg2[%swap3A_39, %swap3A_40, %swap3A_41], %slice3A_38 {strides = array<i32>} : memref<768x2x128xf32, #tpu.memory_space<vmem>>, vector<31x2x128xf32>,
      %slice3A_43 = vector.extract_strided_slice %mul3A_17 {offsets = [544, 0, 0], sizes = [223, 2, 128], strides = [1, 1, 1]} : vector<774x2x128xf32> to vector<223x2x128xf32>
      %swap3A_44 = arith.constant 539 : index
      %swap3A_45 = arith.constant 0 : index
      %swap3A_46 = arith.constant 0 : index
      %swap3A_47 = vector.load %arg2[%swap3A_44, %swap3A_45, %swap3A_46] : memref<768x2x128xf32, #tpu.memory_space<vmem>>, vector<223x2x128xf32>
      tpu.vector_store %arg2[%swap3A_44, %swap3A_45, %swap3A_46], %slice3A_43 {strides = array<i32>} : memref<768x2x128xf32, #tpu.memory_space<vmem>>, vector<223x2x128xf32>,
      %slice3A_48 = vector.extract_strided_slice %mul3A_17 {offsets = [768, 0, 0], sizes = [6, 2, 128], strides = [1, 1, 1]} : vector<774x2x128xf32> to vector<6x2x128xf32>
      %swap3A_49 = arith.constant 762 : index
      %swap3A_50 = arith.constant 0 : index
      %swap3A_51 = arith.constant 0 : index
      %swap3A_52 = vector.load %arg2[%swap3A_49, %swap3A_50, %swap3A_51] : memref<768x2x128xf32, #tpu.memory_space<vmem>>, vector<6x2x128xf32>
      tpu.vector_store %arg2[%swap3A_49, %swap3A_50, %swap3A_51], %slice3A_48 {strides = array<i32>} : memref<768x2x128xf32, #tpu.memory_space<vmem>>, vector<6x2x128xf32>,
    } else {
    }
    return
  }
  func.func @transform_0(%arg0: i32) -> (i32, i32, i32) {
    %c0_i32 = arith.constant 0 : i32
    %c0_i32_0 = arith.constant 0 : i32
    %c0_i32_1 = arith.constant 0 : i32
    return %arg0, %c0_i32, %c0_i32_0 : i32, i32, i32
  }
  func.func @transform_1(%arg0: i32) -> (i32, i32, i32) {
    %c0_i32 = arith.constant 0 : i32
    %c0_i32_0 = arith.constant 0 : i32
    %c0_i32_1 = arith.constant 0 : i32
    %c0_i32_2 = arith.constant 0 : i32
    return %c0_i32, %c0_i32_0, %c0_i32_1 : i32, i32, i32
  }
}

</mosaic_0001>

<sc_bundles>
// kernel: kernel.4.cloned.1.call-start
scs
__scs_entry_jumppad:
0x0: {  	(pc) =	sbr.rel $0x88, $3  }
0x1: {  	(tag) =	ssettag $0x0;
	lr =	simm.s32 $0x1  }
0x2: {  	[smem:$0x3FA0] =	sst lr;
	_ =	strace $0xD0000000  }
0x3: {  	_ = 	snop  }
0x4: {  	_ = 	snop  }
0x5: {  	_ = 	snop  }
0x6: {  	_ = 	snop  }
0x7: {  	_ = 	snop  }
__scs_overlays_trampoline_lowered:
0x8: {  	[smem:$0x3FAF] =	sst s0  }
0x9: {  	[smem:$0x3FB0] =	sst s1  }
0xa: {  	[smem:$0x3FB1] =	sst s2  }
0xb: {  	[smem:$0x3FB2] =	sst s3  }
0xc: {  	[smem:$0x3FB3] =	sst s4  }
0xd: {  	[smem:$0x3FB4] =	sst s5  }
0xe: {  	[smem:$0x3FB5] =	sst s6  }
0xf: {  	[smem:$0x3FB6] =	sst s7  }
0x10: {  	[smem:$0x3FB7] =	sst s8  }
0x11: {  	[smem:$0x3FB8] =	sst s9;
	s0 =	simm.s32 @!p0 $0x0  }
0x12: {  	s1 =	sld [smem:$0x3F9E];
	s0 =	simm.s32 @p0 $0x1  }
0x13: {  	[smem:$0x3FB9] =	sst s0;
	s0 =	simm.s32 @!p1 $0x0  }
0x14: {  	s2 =	sld [smem:$0x3F9D];
	s0 =	simm.s32 @p1 $0x1  }
0x15: {  	[smem:$0x3FBA] =	sst s0;
	s0 =	simm.s32 @!p2 $0x0  }
0x16: {  	s3 =	sld [smem:$0x3FDB];
	s0 =	simm.s32 @p2 $0x1  }
0x17: {  	s4 =	simm.s32 $0x1BF5;
	[smem:$0x3FBC] =	sst s0  }
0x18: {  	s0 =	sld [smem:$0x3F9F];
	_ =	swait.ge [sflag:s4], $0x0  }
0x19: {  	s7 =	sld [smem:$0x3FA0]  }
0x1a: {  	s8 =	sadd.s32 $0xFFFFE003, lr  }
0x1b: {  	s9 =	sadd.s32 $0xFFFFFEF7, lr;
	s5 =	simm.s32 $0xFFFFFFFF;
	p2 =	slt.u32 s8, $0xFFFFF086  }
0x1c: {  	p1 =	slt.u32 s9, $0xF7A;
	s5 =	simm.s32 @!p2 $0x0  }
0x1d: {  	s5 =	simm.s32 @p1 $0x1;
	p0 =	seq.s32 s7, s2  }
0x1e: {  	s7 =	smul.u32 @!p0 $0xF7A, s2;
	p2 =	seq.s32 @!p0 s5, $0x0  }
0x1f: {  	s9 =	smul.u32 $0xF7A, s1;
	s8 =	simm.s32 @!p0 $0x1BF5;
	p2 =	por !p2, p0  }
0x20: {  	[sflag:s8] =	ssyncset.s32 @!p0 $0xFFFFF086;
	s6 =	sadd.s32 @!p0 s3, s7;
	s7 =	simm.s32 @!p0 $0x108  }
0x21: {  	s3 =	sadd.s32 s3, s9;
	s6 =	sadd.s32 @!p0 $0x88, s6;
	s7 =	simm.s32 @p2 $0x1082  }
0x22: {  	[simem:s7], [sflag:s8] =	dma.local @!p0 [hbm:s6], $0xF7A  }
0x23: {  	s9 =	sor.u32 $0xD0000000, s2;
	s6 =	simm.s32 $0x108;
	_ =	swait.ge @!p0 [sflag:s8], $0x0  }
0x24: {  	s3 =	sadd.s32 $0x88, s3;
	s6 =	simm.s32 @!p1 $0x1082;
	[sflag:s4] =	ssyncset.s32 $0xFFFFF086  }
0x25: {  	[simem:s6], [sflag:s4] =	dma.local [hbm:s3], $0xF7A  }
0x26: {  	[smem:$0x3FA0] =	sst s1;
	(tag) =	ssettag s2;
	_ =	strace s9  }
0x27: {  	s1 =	sld [smem:$0x3FB0]  }
0x28: {  	s2 =	sld [smem:$0x3FB1]  }
0x29: {  	s4 =	sld [smem:$0x3FB3]  }
0x2a: {  	p0 =	seq.s32 s5, $0x0;
	s5 =	sld [smem:$0x3FB4]  }
0x2b: {  	s6 =	sld [smem:$0x3FB5]  }
0x2c: {  	s7 =	sld [smem:$0x3FB6]  }
0x2d: {  	s3 =	simm.s32 $0x108;
	s8 =	sld [smem:$0x3FB7]  }
0x2e: {  	s3 =	simm.s32 @!p0 $0x1082;
	s9 =	sld [smem:$0x3FB8]  }
0x2f: {  	lr =	sadd.s32 s0, s3;
	s0 =	sld [smem:$0x3FAF]  }
0x30: {  	s3 =	sld [smem:$0x3FB2]  }
0x31: {  	[smem:$0x3FBB] =	sst s10  }
0x32: {  	s10 =	sld [smem:$0x3FB9];
	_ =	sdelay $0x3  }
0x33: {  	p0 =	seq.s32 s10, $0x1;
	s10 =	sld [smem:$0x3FBB];
	_ =	sdelay $0x3  }
0x34: {  	[smem:$0x3FBB] =	sst s10  }
0x35: {  	s10 =	sld [smem:$0x3FBA];
	_ =	sdelay $0x3  }
0x36: {  	p1 =	seq.s32 s10, $0x1;
	s10 =	sld [smem:$0x3FBB];
	_ =	sdelay $0x3  }
0x37: {  	[smem:$0x3FBB] =	sst s10  }
0x38: {  	s10 =	sld [smem:$0x3FBC]  }
0x39: {  	_ = 	snop;
	(pc) =	sbr.ind lr, $3  }
0x3a: {  	_ = 	snop  }
0x3b: {  	_ = 	snop  }
0x3c: {  	p2 =	seq.s32 s10, $0x1;
	s10 =	sld [smem:$0x3FBB]  }
0x3d: {  	_ =	shalt  }
0x3e: {  	_ =	shalt  }
0x3f: {  	_ =	shalt  }
0x40: {  	_ =	shalt  }
0x41: {  	_ =	shalt  }
0x42: {  	_ =	shalt  }
0x43: {  	_ =	shalt  }
0x44: {  	_ =	shalt  }
0x45: {  	_ =	shalt  }
0x46: {  	_ =	shalt  }
0x47: {  	_ =	shalt  }
0x48: {  	_ =	shalt  }
0x49: {  	_ =	shalt  }
0x4a: {  	_ =	shalt  }
0x4b: {  	_ =	shalt  }
0x4c: {  	_ =	shalt  }
0x4d: {  	_ =	shalt  }
0x4e: {  	_ =	shalt  }
0x4f: {  	_ =	shalt  }
0x50: {  	_ =	shalt  }
0x51: {  	_ =	shalt  }
0x52: {  	_ =	shalt  }
0x53: {  	_ =	shalt  }
0x54: {  	_ =	shalt  }
0x55: {  	_ =	shalt  }
0x56: {  	_ =	shalt  }
0x57: {  	_ =	shalt  }
0x58: {  	_ =	shalt  }
0x59: {  	_ =	shalt  }
0x5a: {  	_ =	shalt  }
0x5b: {  	_ =	shalt  }
0x5c: {  	_ =	shalt  }
0x5d: {  	_ =	shalt  }
0x5e: {  	_ =	shalt  }
0x5f: {  	_ =	shalt  }
0x60: {  	_ =	shalt  }
0x61: {  	_ =	shalt  }
0x62: {  	_ =	shalt  }
0x63: {  	_ =	shalt  }
0x64: {  	_ =	shalt  }
0x65: {  	_ =	shalt  }
0x66: {  	_ =	shalt  }
0x67: {  	_ =	shalt  }
0x68: {  	_ =	shalt  }
0x69: {  	_ =	shalt  }
0x6a: {  	_ =	shalt  }
0x6b: {  	_ =	shalt  }
0x6c: {  	_ =	shalt  }
0x6d: {  	_ =	shalt  }
0x6e: {  	_ =	shalt  }
0x6f: {  	_ =	shalt  }
0x70: {  	_ =	shalt  }
0x71: {  	_ =	shalt  }
0x72: {  	_ =	shalt  }
0x73: {  	_ =	shalt  }
0x74: {  	_ =	shalt  }
0x75: {  	_ =	shalt  }
0x76: {  	_ =	shalt  }
0x77: {  	_ =	shalt  }
0x78: {  	_ =	shalt  }
0x79: {  	_ =	shalt  }
0x7a: {  	_ =	shalt  }
0x7b: {  	_ =	shalt  }
0x7c: {  	_ =	shalt  }
0x7d: {  	_ =	shalt  }
0x7e: {  	_ =	shalt  }
0x7f: {  	_ =	shalt  }
0x80: {  	_ =	shalt  }
0x81: {  	_ =	shalt  }
0x82: {  	_ =	shalt  }
0x83: {  	_ =	shalt  }
0x84: {  	_ =	shalt  }
0x85: {  	_ =	shalt  }
0x86: {  	_ =	shalt  }
0x87: {  	_ =	shalt  }
.Lfunc_end0:
.L_simem_size_0:
called_computation_lowered:
.L_overlay_start_0:
0x88: {  	s2 =	sld [smem:$0x3FD9]  }
0x89: {  	s3 =	sld [smem:$0x3FFE];
	_ =	sdelay $0x1  }
0x8a: {  	s1 =	srdreg.scid  }
0x8b: {  	s0 =	sand.u32 $0x1, s1  }
0x8c: {  	s17 =	sshll.u32 s0, $0xA;
	s2 =	sadd.s32 s3, s2  }
0x8d: {  	s2 =	sadd.s32 s2, s17  }
0x8e: {  	[smem:$0x3FC7] =	sst s2  }
0x8f: {  	_ = 	snop  }
0x90: {  	s2 =	sld [smem:$0x3FC9];
	(tm) =	ssettm $0x1  }
0x91: {  	s18 =	sld [smem:$0x3FFB];
	_ =	sdelay $0x3  }
0x92: {  	_ =	strace s18  }
0x93: {  	s3 =	sld [smem:$0x3FFC];
	_ =	sdelay $0x3  }
0x94: {  	_ =	strace s3  }
0x95: {  	s3 =	sld [smem:$0x3FFD];
	_ =	sdelay $0x3  }
0x96: {  	_ =	strace s3  }
0x97: {  	_ =	strace $0x8FFFFFFF  }
0x98: {  	s19 =	sld [smem:$0x3FDB];
	_ =	sdelay $0x1  }
0x99: {  	s4 =	simm.s32 $_scs_section_size  }
0x9a: {  	s5 =	simm.s32 $_size__tile_overlayer_lowered;
	s6 =	simm.s32 $_tile_overlayer_lowered  }
0x9b: {  	s22 =	simm.s32 $0x1BFF;
	s21 =	sshll.u32 s6, $0x1;
	s3 =	sadd.s32 s4, s19  }
0x9c: {  	s7 =	simm.s32 $0x0;
	s20 =	sshll.u32 s5, $0x1;
	s5 =	sadd.s32 s21, s3  }
0x9d: {  	[timem:s7], [sflag:s22] =	dma.local [hbm:s5], s20  }
0x9e: {  	_ =	swait.ge [sflag:s22], s20  }
0x9f: {  	s4 =	ssub.s32 $0x0, s20;
	[sflag:s22] =	ssyncset.done $0x0  }
0xa0: {  	[sflag:s22] =	ssyncadd.s32 s4;
	_ =	sdelay $0x1  }
0xa1: {  	s23 =	simm.s32 $0x1B8B  }
0xa2: {  	_ =	swait.ge [sflag:s23], $0x1  }
0xa3: {  	[sflag:s23] =	ssyncset.done $0x0  }
0xa4: {  	s25 =	simm.s32 $0x1B8E;
	s24 =	sld [smem:$0x3FFE];
	[sflag:s23] =	ssyncadd.s32 $0xFFFFFFFF  }
0xa5: {  	s26 =	simm.s32 $execute0_lowered;
	[smem:$0x3FD2] =	sst s25  }
0xa6: {  	s5 =	sshll.u32 s26, $0x1;
	_ =	strace $0x80000046;
	[dreg:$0x1] =	wrdreg $0xFFFFFFFF  }
0xa7: {  	s28 =	simm.s32 $_size_execute0_lowered;
	s3 =	sadd.s32 s3, s5;
	[dreg:$0x0] =	wrdreg $0x0  }
0xa8: {  	s5 =	sshll.u32 s28, $0x1;
	[dreg:$0x2] =	wrdreg s3  }
0xa9: {  	[dreg:$0x3] =	wrdreg s5  }
0xaa: {  	[dreg:$0x4] =	wrdreg $0xC0  }
0xab: {  	_ =	task [dreg:s7], $0x5FFFF  }
0xac: {  	[dreg:$0x1] =	wrdreg $0xFFFFFFFF  }
0xad: {  	[dreg:$0x0] =	wrdreg $0x60  }
0xae: {  	[dreg:$0x2] =	wrdreg s2  }
0xaf: {  	[dreg:$0x3] =	wrdreg s24  }
0xb0: {  	[dreg:$0x4] =	wrdreg $0x9  }
0xb1: {  	_ =	task.clear_ibuf [dreg:s7], $0x5FFFF;
	_ =	strace $0x90000046  }
0xb2: {  	s29 =	simm.s32 $0x9;
	_ =	strace $0x80000048  }
0xb3: {  	_ =	swait.ge [sflag:s29], $0x1  }
0xb4: {  	[sflag:s29] =	ssyncadd.s32 $0xFFFFFFFF  }
0xb5: {  	_ =	strace $0x90000048  }
0xb6: {  	_ =	sfence  }
0xb7: {  	s30 =	sld [smem:$0x0];
	_ =	sdelay $0x2  }
0xb8: {  	s31 =	sshll.u32 s1, $0xD;
	s1 =	sshrl.u32 s1, $0x2  }
0xb9: {  	s3 =	sand.u32 $0x4000, s31;
	s1 =	sadd.s32 s1, s30  }
0xba: {  	s0 =	sor.u32 s3, s0;
	s1 =	sshll.u32 s1, $0x11  }
0xbb: {  	s0 =	sor.u32 s1, s0  }
0xbc: {  	s0 =	sadd.s32 $0x8F2B, s0  }
0xbd: {  	[sflag:s0] =	ssyncadd.remote.s32 $0x1  }
0xbe: {  	_ =	sfence.sel $0xFFFF  }
0xbf: {  	[dreg:$0x0] =	wrdreg $0xFFFFFFFF;
	(pc) =	sbr.abs _section_cstart, $3  }
0xc0: {  	[dreg:$0x1] =	wrdreg $0xFFFFFFFF  }
0xc1: {  	_ =	task.clear_ibuf [dreg:s7], $0x2FFFF;
	_ =	strace $0x9FFFFFFF  }
0xc2: {  	(tm) =	ssettm $0x7FFFFFFF  }
0xc3: {  	_ =	shalt  }
tec
execute0_lowered:
.L_overlay_start_1:
0x0: {  	(tag) =	ssettag $0x1  }
0x1: {  	s0 =	srdreg.scid  }
0x2: {  	s7 =	sand.u32 $0x1, s0;
	s0 =	stileid.u32  }
0x3: {  	s5 =	sshll.u32 s0, $0x4;
	s8 =	sshll.u32 s7, $0x3  }
0x4: {  	s3 =	sor.u32 s8, s5  }
0x5: {  	p0 =	seq.s32 s3, $0xF8  }
.Ltmp0:
0x6: {  	_ = 	snop;
	(pc) =	sbr.rel @p0 .LBB2_9-.Ltmp0, $4  }
0x7: {  	s6 =	rddreg [dreg:$0x0]  }
0x8: {  	s4 =	rddreg [dreg:$0x1];
	s2 =	simm.s32 $0x0  }
0x9: {  	[smem:$0x7FF] =	sst s2  }
0xa: {  	s1 =	rddreg [dreg:$0x2];
	_ =	strace $0x80000047  }
0xb: {  	s9 =	sshll.u32 s3, $0x5  }
0xc: {  	p0 =	sgt.u32 s3, $0x58;
	s8 =	sadd.s32 s8, s5;
	s5 =	simm.s32 $0x1  }
0xd: {  	s7 =	ssub.s32 $0x2, s7;
	s4 =	sadd.s32 s9, s4;
	s9 =	simm.s32 $0x1  }
0xe: {  	s11 =	sshrl.u32 s7, $0x1;
	s4 =	sadd.s32 $0x800, s4;
	s9 =	simm.s32 @!p0 $0x0  }
0xf: {  	s7 =	ssub.s32 s7, s11;
	s10 =	sor.u32 s9, s3;
	s9 =	sadd.s32 s9, s8  }
0x10: {  	s11 =	simm.s32 $0x0;
	s10 =	sor.u32 $0x306, s10;
	s9 =	sadd.s32 $0x306, s9  }
0x11: {  	s7 =	smax.u32 s7, $0x1;
	s10 =	smin.u32 s10, $0x3F6;
	s9 =	smin.u32 s9, $0x3F6  }
0x12: {  	s10 =	sshll.u32 s10, $0x9;
	s8 =	ssub.s32 s8, s9;
	s9 =	simm.s32 $0xAA00  }
0x13: {  	s6 =	sadd.s32 s6, s10;
	s8 =	sadd.s32 $0x306, s8;
	s10 =	simm.s32 $0x2  }
.LBB2_2:
0x14: {  	s12 =	simm.s32 $0x0  }
0x15: {  	[tilespmem:s12], [sflag:$0x1] =	stream.linear.gather [hbm4b:s6+s12], $0xA000, $0x38;
	[tilespmem:$0xB200] =	vst v63  }
0x16: {  	_ =	swait.ge [sflag:s5], $0xA000  }
0x17: {  	[sflag:s5] =	ssyncset.done $0x0  }
0x18: {  	s13 =	simm.s32 $0x100;
	[sflag:s5] =	ssyncadd.s32 $0xFFFF6000  }
.LBB2_3:
0x19: {  	v1 =	vmov s13;
	_ =	sdelay $0x3  }
0x1a: {  	s15 =	simm.s32 $0x0  }
0x1b: {  	v0 =	vld.idx.msk [tilespmem:v1+s15+$0xFFFFFFF0 ss:$0x1], $0xffff  }
0x1c: {  	v2 =	vld.idx.msk [tilespmem:v1+s15+$0xF0 ss:$0x1], $0xffff  }
0x1d: {  	v3 =	vld.idx.msk [tilespmem:v1+s15+$0xFFFFFF00 ss:$0x1], $0xffff  }
0x1e: {  	v4 =	vld.idx.msk [tilespmem:v1+s15+$0x0 ss:$0x1], $0xffff  }
0x1f: {  	v5 =	vld.idx.msk [tilespmem:v1+s15+$0xFFFFFF10 ss:$0x1], $0xffff  }
0x20: {  	v6 =	vld.idx.msk [tilespmem:v1+s15+$0x10 ss:$0x1], $0xffff  }
0x21: {  	v7 =	vld.idx.msk [tilespmem:v1+s15+$0xFFFFFF20 ss:$0x1], $0xffff  }
0x22: {  	v8 =	vld.idx.msk [tilespmem:v1+s15+$0x20 ss:$0x1], $0xffff  }
0x23: {  	v9 =	vld.idx.msk [tilespmem:v1+s15+$0xFFFFFF30 ss:$0x1], $0xffff  }
0x24: {  	v10 =	vld.idx.msk [tilespmem:v1+s15+$0x30 ss:$0x1], $0xffff  }
0x25: {  	v11 =	vld.idx.msk [tilespmem:v1+s15+$0xFFFFFF40 ss:$0x1], $0xffff  }
0x26: {  	v14 =	vld.idx.msk [tilespmem:v1+s15+$0x40 ss:$0x1], $0xffff  }
0x27: {  	v15 =	vld.idx.msk [tilespmem:v1+s15+$0xFFFFFF50 ss:$0x1], $0xffff  }
0x28: {  	v16 =	vld.idx.msk [tilespmem:v1+s15+$0x50 ss:$0x1], $0xffff  }
0x29: {  	v17 =	vld.idx.msk [tilespmem:v1+s15+$0xFFFFFF60 ss:$0x1], $0xffff  }
0x2a: {  	v18 =	vld.idx.msk [tilespmem:v1+s15+$0x60 ss:$0x1], $0xffff  }
0x2b: {  	v19 =	vld.idx.msk [tilespmem:v1+s15+$0xFFFFFF70 ss:$0x1], $0xffff  }
0x2c: {  	v20 =	vld.idx.msk [tilespmem:v1+s15+$0x70 ss:$0x1], $0xffff  }
0x2d: {  	v22 =	vld.idx.msk [tilespmem:v1+s15+$0xFFFFFF80 ss:$0x1], $0xffff  }
0x2e: {  	v23 =	vld.idx.msk [tilespmem:v1+s15+$0x80 ss:$0x1], $0xffff  }
0x2f: {  	v24 =	vld.idx.msk [tilespmem:v1+s15+$0xFFFFFFA0 ss:$0x1], $0xffff;
	v0 =	vadd.f32 v2, v0;
	v2 =	vadd.f32 v4, v3  }
0x30: {  	v13 =	vimm.f32 $0.0e+00;
	v25 =	vld.idx.msk [tilespmem:v1+s15+$0xA0 ss:$0x1], $0xffff;
	v3 =	vadd.f32 v6, v5;
	v5 =	vadd.f32 v8, v7  }
0x31: {  	v21 =	vld.idx.msk [tilespmem:v1+s15+$0xC0 ss:$0x1], $0xffff;
	v0 =	vadd.f32 v0, v13;
	v12 =	vadd.f32 v2, v13  }
0x32: {  	v6 =	vld.idx.msk [tilespmem:v1+s15+$0xFFFFFF90 ss:$0x1], $0xffff;
	v4 =	vadd.f32 v3, v13;
	v2 =	vadd.f32 v5, v13  }
0x33: {  	v7 =	vld.idx.msk [tilespmem:v1+s15+$0x90 ss:$0x1], $0xffff;
	v3 =	vadd.f32 v10, v9;
	v5 =	vadd.f32 v14, v11  }
0x34: {  	v10 =	vadd.f32 v16, v15;
	v14 =	vld.idx.msk [tilespmem:v1+s15+$0xFFFFFFB0 ss:$0x1], $0xffff;
	v11 =	vadd.f32 v23, v22  }
0x35: {  	v15 =	vld.idx.msk [tilespmem:v1+s15+$0xB0 ss:$0x1], $0xffff;
	v8 =	vadd.f32 v3, v13;
	v3 =	vadd.f32 v18, v17  }
0x36: {  	v22 =	vld.idx.msk [tilespmem:v1+s15+$0xD0 ss:$0x1], $0xffff;
	v9 =	vadd.f32 v5, v13;
	v5 =	vadd.f32 v10, v13  }
0x37: {  	v18 =	vld.idx.msk [tilespmem:v1+s15+$0xFFFFFFC0 ss:$0x1], $0xffff;
	v10 =	vadd.f32 v20, v19;
	v11 =	vadd.f32 v11, v13  }
0x38: {  	v23 =	vld.idx.msk [tilespmem:v1+s15+$0xE0 ss:$0x1], $0xffff;
	v6 =	vadd.f32 v7, v6;
	v7 =	vadd.f32 v25, v24  }
0x39: {  	v19 =	vld.idx.msk [tilespmem:v1+s15+$0xFFFFFFD0 ss:$0x1], $0xffff;
	v3 =	vadd.f32 v3, v13;
	v10 =	vadd.f32 v10, v13  }
0x3a: {  	s14 =	simm.s32 $0x200;
	v16 =	vimm.f32 $0.0e+00;
	v20 =	vld.idx.msk [tilespmem:v1+s15+$0xFFFFFFE0 ss:$0x1], $0xffff;
	v6 =	vadd.f32 v6, v13;
	v24 =	vadd.f32 v15, v14  }
0x3b: {  	v17 =	vld.idx.msk [tilespmem:v1+s14+$0xFFFFFFF0 ss:$0x1], $0xffff;
	s15 =	simm.s32 $0x1000;
	v7 =	vadd.f32 v7, v13;
	v15 =	vimm.f32 $0.0e+00;
	v14 =	vimm.f32 $0.0e+00  }
.LBB2_4:
0x3c: {  	p0 =	sne.s32 s15, $0x3800;
	v25 =	vld.idx.msk [tilespmem:v1+s14+$0xF0 ss:$0x1], $0xffff;
	v13 =	vadd.f32 v24, v13;
	v18 =	vadd.f32 v21, v18  }
0x3d: {  	v21 =	vld.idx.msk [tilespmem:v1+s14+$0xFFFFFF00 ss:$0x1], $0xffff  }
0x3e: {  	v24 =	vld.idx.msk [tilespmem:v1+s14+$0x0 ss:$0x1], $0xffff;
	v16 =	vadd.f32 v18, v16;
	v18 =	vadd.f32 v22, v19  }
0x3f: {  	v19 =	vld.idx.msk [tilespmem:v1+s14+$0xFFFFFF10 ss:$0x1], $0xffff  }
0x40: {  	v22 =	vld.idx.msk [tilespmem:v1+s14+$0x10 ss:$0x1], $0xffff;
	v15 =	vadd.f32 v18, v15;
	v18 =	vadd.f32 v23, v20  }
0x41: {  	v20 =	vld.idx.msk [tilespmem:v1+s14+$0xFFFFFF20 ss:$0x1], $0xffff  }
0x42: {  	v17 =	vadd.f32 v25, v17;
	v23 =	vld.idx.msk [tilespmem:v1+s14+$0x20 ss:$0x1], $0xffff;
	v14 =	vadd.f32 v18, v14  }
0x43: {  	v18 =	vld.idx.msk [tilespmem:v1+s14+$0xFFFFFF30 ss:$0x1], $0xffff  }
0x44: {  	v21 =	vadd.f32 v24, v21;
	v0 =	vadd.f32 v17, v0;
	v24 =	vld.idx.msk [tilespmem:v1+s14+$0x30 ss:$0x1], $0xffff  }
0x45: {  	v17 =	vld.idx.msk [tilespmem:v1+s14+$0xFFFFFF40 ss:$0x1], $0xffff  }
0x46: {  	v12 =	vadd.f32 v21, v12;
	v19 =	vadd.f32 v22, v19;
	v21 =	vld.idx.msk [tilespmem:v1+s14+$0x40 ss:$0x1], $0xffff  }
0x47: {  	v22 =	vld.idx.msk [tilespmem:v1+s14+$0xFFFFFF50 ss:$0x1], $0xffff  }
0x48: {  	v4 =	vadd.f32 v19, v4;
	v19 =	vadd.f32 v23, v20;
	v20 =	vld.idx.msk [tilespmem:v1+s14+$0x50 ss:$0x1], $0xffff  }
0x49: {  	v23 =	vld.idx.msk [tilespmem:v1+s14+$0xFFFFFF60 ss:$0x1], $0xffff  }
0x4a: {  	v2 =	vadd.f32 v19, v2;
	v18 =	vadd.f32 v24, v18;
	v19 =	vld.idx.msk [tilespmem:v1+s14+$0x60 ss:$0x1], $0xffff  }
0x4b: {  	v24 =	vld.idx.msk [tilespmem:v1+s14+$0xFFFFFF70 ss:$0x1], $0xffff  }
0x4c: {  	v8 =	vadd.f32 v18, v8;
	v17 =	vadd.f32 v21, v17;
	v18 =	vld.idx.msk [tilespmem:v1+s14+$0x70 ss:$0x1], $0xffff  }
0x4d: {  	v21 =	vld.idx.msk [tilespmem:v1+s14+$0xFFFFFF80 ss:$0x1], $0xffff  }
0x4e: {  	v9 =	vadd.f32 v17, v9;
	v17 =	vadd.f32 v20, v22;
	v20 =	vld.idx.msk [tilespmem:v1+s14+$0x80 ss:$0x1], $0xffff  }
0x4f: {  	v22 =	vld.idx.msk [tilespmem:v1+s14+$0xFFFFFF90 ss:$0x1], $0xffff  }
0x50: {  	v5 =	vadd.f32 v17, v5;
	v17 =	vadd.f32 v19, v23;
	v19 =	vld.idx.msk [tilespmem:v1+s14+$0x90 ss:$0x1], $0xffff  }
0x51: {  	v23 =	vld.idx.msk [tilespmem:v1+s14+$0xFFFFFFA0 ss:$0x1], $0xffff  }
0x52: {  	v3 =	vadd.f32 v17, v3;
	v17 =	vadd.f32 v18, v24;
	v24 =	vld.idx.msk [tilespmem:v1+s14+$0xA0 ss:$0x1], $0xffff  }
0x53: {  	v25 =	vld.idx.msk [tilespmem:v1+s14+$0xFFFFFFB0 ss:$0x1], $0xffff  }
0x54: {  	v10 =	vadd.f32 v17, v10;
	v17 =	vadd.f32 v20, v21;
	v26 =	vld.idx.msk [tilespmem:v1+s14+$0xB0 ss:$0x1], $0xffff  }
0x55: {  	v18 =	vld.idx.msk [tilespmem:v1+s14+$0xFFFFFFC0 ss:$0x1], $0xffff  }
0x56: {  	v11 =	vadd.f32 v17, v11;
	v17 =	vadd.f32 v19, v22;
	v21 =	vld.idx.msk [tilespmem:v1+s14+$0xC0 ss:$0x1], $0xffff  }
.Ltmp1:
0x57: {  	v19 =	vld.idx.msk [tilespmem:v1+s14+$0xFFFFFFD0 ss:$0x1], $0xffff;
	(pc) =	sbr.rel @p0 .LBB2_4-.Ltmp1, $4  }
0x58: {  	v6 =	vadd.f32 v17, v6;
	v17 =	vadd.f32 v24, v23;
	v22 =	vld.idx.msk [tilespmem:v1+s14+$0xD0 ss:$0x1], $0xffff  }
0x59: {  	v20 =	vld.idx.msk [tilespmem:v1+s14+$0xFFFFFFE0 ss:$0x1], $0xffff  }
0x5a: {  	v7 =	vadd.f32 v17, v7;
	v24 =	vadd.f32 v26, v25;
	v23 =	vld.idx.msk [tilespmem:v1+s14+$0xE0 ss:$0x1], $0xffff;
	s14 =	sshra.s32 s15, $0x2  }
0x5b: {  	s15 =	sadd.s32 $0x800, s15;
	v17 =	vld.idx.msk [tilespmem:v1+s14+$0xFFFFFFF0 ss:$0x1], $0xffff  }
0x5c: {  	_ =	sdelay $0x3  }
0x5d: {  	v25 =	vld.idx.msk [tilespmem:v1+s14+$0xF0 ss:$0x1], $0xffff  }
0x5e: {  	v26 =	vld.idx.msk [tilespmem:v1+s14+$0xFFFFFF00 ss:$0x1], $0xffff  }
0x5f: {  	v27 =	vld.idx.msk [tilespmem:v1+s14+$0x0 ss:$0x1], $0xffff  }
0x60: {  	v28 =	vld.idx.msk [tilespmem:v1+s14+$0xFFFFFF10 ss:$0x1], $0xffff  }
0x61: {  	v29 =	vld.idx.msk [tilespmem:v1+s14+$0x10 ss:$0x1], $0xffff  }
0x62: {  	v30 =	vld.idx.msk [tilespmem:v1+s14+$0xFFFFFF20 ss:$0x1], $0xffff  }
0x63: {  	v31 =	vld.idx.msk [tilespmem:v1+s14+$0x20 ss:$0x1], $0xffff  }
0x64: {  	v32 =	vld.idx.msk [tilespmem:v1+s14+$0xFFFFFF30 ss:$0x1], $0xffff  }
0x65: {  	v33 =	vld.idx.msk [tilespmem:v1+s14+$0x30 ss:$0x1], $0xffff  }
0x66: {  	v34 =	vld.idx.msk [tilespmem:v1+s14+$0xFFFFFF40 ss:$0x1], $0xffff  }
0x67: {  	v35 =	vld.idx.msk [tilespmem:v1+s14+$0x40 ss:$0x1], $0xffff  }
0x68: {  	v36 =	vld.idx.msk [tilespmem:v1+s14+$0xFFFFFF50 ss:$0x1], $0xffff  }
0x69: {  	v37 =	vld.idx.msk [tilespmem:v1+s14+$0x50 ss:$0x1], $0xffff  }
0x6a: {  	v38 =	vld.idx.msk [tilespmem:v1+s14+$0xFFFFFF60 ss:$0x1], $0xffff  }
0x6b: {  	v39 =	vld.idx.msk [tilespmem:v1+s14+$0x60 ss:$0x1], $0xffff  }
0x6c: {  	v40 =	vld.idx.msk [tilespmem:v1+s14+$0xFFFFFF70 ss:$0x1], $0xffff  }
0x6d: {  	v41 =	vld.idx.msk [tilespmem:v1+s14+$0x70 ss:$0x1], $0xffff  }
0x6e: {  	v42 =	vld.idx.msk [tilespmem:v1+s14+$0xFFFFFF80 ss:$0x1], $0xffff  }
0x6f: {  	v43 =	vld.idx.msk [tilespmem:v1+s14+$0x80 ss:$0x1], $0xffff  }
0x70: {  	v44 =	vld.idx.msk [tilespmem:v1+s14+$0xFFFFFF90 ss:$0x1], $0xffff  }
0x71: {  	v45 =	vld.idx.msk [tilespmem:v1+s14+$0x90 ss:$0x1], $0xffff  }
0x72: {  	v46 =	vld.idx.msk [tilespmem:v1+s14+$0xFFFFFFA0 ss:$0x1], $0xffff  }
0x73: {  	v47 =	vld.idx.msk [tilespmem:v1+s14+$0xA0 ss:$0x1], $0xffff  }
0x74: {  	v48 =	vld.idx.msk [tilespmem:v1+s14+$0xFFFFFFB0 ss:$0x1], $0xffff;
	v18 =	vadd.f32 v21, v18  }
0x75: {  	v58 =	vld.idx.msk [tilespmem:v1+s14+$0xB0 ss:$0x1], $0xffff;
	v13 =	vadd.f32 v24, v13;
	v19 =	vadd.f32 v22, v19  }
0x76: {  	v60 =	vld.idx.msk [tilespmem:v1+s14+$0xC0 ss:$0x1], $0xffff;
	v16 =	vadd.f32 v18, v16;
	v59 =	vadd.f32 v23, v20  }
0x77: {  	v62 =	vld.idx.msk [tilespmem:v1+s14+$0xFFFFFFD0 ss:$0x1], $0xffff;
	v15 =	vadd.f32 v19, v15;
	v61 =	vadd.f32 v27, v26  }
0x78: {  	v22 =	vld.idx.msk [tilespmem:v1+s14+$0xFFFFFFC0 ss:$0x1], $0xffff;
	v14 =	vadd.f32 v59, v14;
	v63 =	vadd.f32 v29, v28  }
0x79: {  	s15 =	sshll.u32 s12, $0x8;
	v28 =	vld.idx.msk [tilespmem:v1+s14+$0xD0 ss:$0x1], $0xffff;
	v29 =	vadd.f32 v31, v30;
	v12 =	vadd.f32 v61, v12  }
0x7a: {  	s31 =	sand.u32 $0x3FFFFF00, s15;
	v30 =	vld.idx.msk [tilespmem:v1+s14+$0xFFFFFFE0 ss:$0x1], $0xffff;
	v33 =	vadd.f32 v33, v32;
	v4 =	vadd.f32 v63, v4  }
0x7b: {  	v31 =	vld.idx.msk [tilespmem:v1+s14+$0xE0 ss:$0x1], $0xffff;
	v35 =	vadd.f32 v35, v34;
	v2 =	vadd.f32 v29, v2;
	[tilespmem:s31+$0xA000] =	vst v12  }
0x7c: {  	v36 =	vadd.f32 v37, v36;
	v8 =	vadd.f32 v33, v8;
	[tilespmem:s31+$0xA010] =	vst v4  }
0x7d: {  	v39 =	vadd.f32 v39, v38;
	v37 =	vadd.f32 v35, v9;
	[tilespmem:s31+$0xA020] =	vst v2  }
0x7e: {  	v50 =	vadd.f32 v41, v40;
	v49 =	vadd.f32 v36, v5;
	[tilespmem:s31+$0xA030] =	vst v8  }
0x7f: {  	v51 =	vadd.f32 v43, v42;
	v3 =	vadd.f32 v39, v3;
	[tilespmem:s31+$0xA040] =	vst v37  }
0x80: {  	v53 =	vadd.f32 v45, v44;
	v52 =	vadd.f32 v50, v10;
	[tilespmem:s31+$0xA050] =	vst v49  }
0x81: {  	v55 =	vadd.f32 v47, v46;
	v54 =	vadd.f32 v51, v11;
	[tilespmem:s31+$0xA060] =	vst v3  }
0x82: {  	v57 =	vadd.f32 v58, v48;
	v56 =	vadd.f32 v53, v6;
	[tilespmem:s31+$0xA070] =	vst v52  }
0x83: {  	v58 =	vadd.f32 v55, v7;
	v63 =	vadd.f32 v25, v17;
	[tilespmem:s31+$0xA080] =	vst v54  }
0x84: {  	s12 =	sadd.s32 $0x1, s12;
	v59 =	vadd.f32 v60, v22;
	v60 =	vadd.f32 v57, v13;
	[tilespmem:s31+$0xA090] =	vst v56  }
0x85: {  	p0 =	sne.s32 s12, $0xA;
	[tilespmem:s31+$0xA0A0] =	vst v58;
	v0 =	vadd.f32 v63, v0;
	v61 =	vadd.f32 v28, v62  }
.Ltmp2:
0x86: {  	[tilespmem:s31+$0xA0B0] =	vst v60;
	v62 =	vadd.f32 v59, v16;
	v1 =	vadd.f32 v31, v30;
	(pc) =	sbr.rel @p0 .LBB2_3-.Ltmp2, $4  }
0x87: {  	[tilespmem:s31+$0xA0F0] =	vst v0;
	v5 =	vadd.f32 v61, v15  }
0x88: {  	v1 =	vadd.f32 v1, v14;
	[tilespmem:s31+$0xA0C0] =	vst v62  }
0x89: {  	[tilespmem:s31+$0xA0D0] =	vst v5  }
0x8a: {  	s13 =	sadd.s32 $0x1000, s13;
	[tilespmem:s31+$0xA0E0] =	vst v1  }
0x8b: {  	s12 =	sadd.s32 $0x0, s3  }
0x8c: {  	p0 =	sgt.u32 s12, $0x58;
	s12 =	simm.s32 $0x1  }
0x8d: {  	s13 =	sadd.s32 $0x0, s8;
	s12 =	simm.s32 @!p0 $0x0  }
0x8e: {  	s12 =	sadd.s32 s12, s13  }
0x8f: {  	s12 =	sshll.u32 s12, $0xA  }
0x90: {  	s13 =	sshra.s32 s12, $0x2  }
0x91: {  	v0 =	vld [tilespmem:s13+$0xA000]  }
0x92: {  	v1 =	vld [tilespmem:s13+$0xA100];
	_ =	sdelay $0x4  }
0x93: {  	v0 =	vadd.f32 v1, v0;
	_ =	sdelay $0x1  }
0x94: {  	v0 =	vmul.f32 $3.125000000e-02, v0  }
0x95: {  	s12 =	simm.s32 $0xAA80  }
0x96: {  	[tilespmem:s12+$0xFFFFFF80] =	vst v0  }
0x97: {  	v0 =	vld [tilespmem:s13+$0xA010]  }
0x98: {  	v1 =	vld [tilespmem:s13+$0xA110];
	_ =	sdelay $0x4  }
0x99: {  	v0 =	vadd.f32 v1, v0;
	_ =	sdelay $0x1  }
0x9a: {  	v0 =	vmul.f32 $3.125000000e-02, v0;
	_ =	sdelay $0x1  }
0x9b: {  	[tilespmem:s12+$0xFFFFFF90] =	vst v0  }
0x9c: {  	v0 =	vld [tilespmem:s13+$0xA020]  }
0x9d: {  	v1 =	vld [tilespmem:s13+$0xA120];
	_ =	sdelay $0x4  }
0x9e: {  	v0 =	vadd.f32 v1, v0;
	_ =	sdelay $0x1  }
0x9f: {  	v0 =	vmul.f32 $3.125000000e-02, v0;
	_ =	sdelay $0x1  }
0xa0: {  	[tilespmem:s12+$0xFFFFFFA0] =	vst v0  }
0xa1: {  	v0 =	vld [tilespmem:s13+$0xA030]  }
0xa2: {  	v1 =	vld [tilespmem:s13+$0xA130];
	_ =	sdelay $0x4  }
0xa3: {  	v0 =	vadd.f32 v1, v0;
	_ =	sdelay $0x1  }
0xa4: {  	v0 =	vmul.f32 $3.125000000e-02, v0;
	_ =	sdelay $0x1  }
0xa5: {  	[tilespmem:s12+$0xFFFFFFB0] =	vst v0  }
0xa6: {  	v0 =	vld [tilespmem:s13+$0xA040]  }
0xa7: {  	v1 =	vld [tilespmem:s13+$0xA140];
	_ =	sdelay $0x4  }
0xa8: {  	v0 =	vadd.f32 v1, v0;
	_ =	sdelay $0x1  }
0xa9: {  	v0 =	vmul.f32 $3.125000000e-02, v0;
	_ =	sdelay $0x1  }
0xaa: {  	[tilespmem:s12+$0xFFFFFFC0] =	vst v0  }
0xab: {  	v0 =	vld [tilespmem:s13+$0xA050]  }
0xac: {  	v1 =	vld [tilespmem:s13+$0xA150];
	_ =	sdelay $0x4  }
0xad: {  	v0 =	vadd.f32 v1, v0;
	_ =	sdelay $0x1  }
0xae: {  	v0 =	vmul.f32 $3.125000000e-02, v0;
	_ =	sdelay $0x1  }
0xaf: {  	[tilespmem:s12+$0xFFFFFFD0] =	vst v0  }
0xb0: {  	v0 =	vld [tilespmem:s13+$0xA060]  }
0xb1: {  	v1 =	vld [tilespmem:s13+$0xA160];
	_ =	sdelay $0x4  }
0xb2: {  	v0 =	vadd.f32 v1, v0;
	_ =	sdelay $0x1  }
0xb3: {  	v0 =	vmul.f32 $3.125000000e-02, v0;
	_ =	sdelay $0x1  }
0xb4: {  	[tilespmem:s12+$0xFFFFFFE0] =	vst v0  }
0xb5: {  	v0 =	vld [tilespmem:s13+$0xA070]  }
0xb6: {  	v1 =	vld [tilespmem:s13+$0xA170];
	_ =	sdelay $0x4  }
0xb7: {  	v0 =	vadd.f32 v1, v0;
	_ =	sdelay $0x1  }
0xb8: {  	v0 =	vmul.f32 $3.125000000e-02, v0;
	_ =	sdelay $0x1  }
0xb9: {  	[tilespmem:s12+$0xFFFFFFF0] =	vst v0  }
0xba: {  	v0 =	vld [tilespmem:s13+$0xA080]  }
0xbb: {  	v1 =	vld [tilespmem:s13+$0xA180];
	_ =	sdelay $0x4  }
0xbc: {  	v0 =	vadd.f32 v1, v0;
	_ =	sdelay $0x1  }
0xbd: {  	v0 =	vmul.f32 $3.125000000e-02, v0;
	_ =	sdelay $0x1  }
0xbe: {  	[tilespmem:s12+$0x0] =	vst v0  }
0xbf: {  	v0 =	vld [tilespmem:s13+$0xA090]  }
0xc0: {  	v1 =	vld [tilespmem:s13+$0xA190];
	_ =	sdelay $0x4  }
0xc1: {  	v0 =	vadd.f32 v1, v0;
	_ =	sdelay $0x1  }
0xc2: {  	v0 =	vmul.f32 $3.125000000e-02, v0;
	_ =	sdelay $0x1  }
0xc3: {  	[tilespmem:s12+$0x10] =	vst v0  }
0xc4: {  	v0 =	vld [tilespmem:s13+$0xA0A0]  }
0xc5: {  	v1 =	vld [tilespmem:s13+$0xA1A0];
	_ =	sdelay $0x4  }
0xc6: {  	v0 =	vadd.f32 v1, v0;
	_ =	sdelay $0x1  }
0xc7: {  	v0 =	vmul.f32 $3.125000000e-02, v0;
	_ =	sdelay $0x1  }
0xc8: {  	[tilespmem:s12+$0x20] =	vst v0  }
0xc9: {  	v0 =	vld [tilespmem:s13+$0xA0B0]  }
0xca: {  	v1 =	vld [tilespmem:s13+$0xA1B0];
	_ =	sdelay $0x4  }
0xcb: {  	v0 =	vadd.f32 v1, v0;
	_ =	sdelay $0x1  }
0xcc: {  	v0 =	vmul.f32 $3.125000000e-02, v0;
	_ =	sdelay $0x1  }
0xcd: {  	[tilespmem:s12+$0x30] =	vst v0  }
0xce: {  	v0 =	vld [tilespmem:s13+$0xA0C0]  }
0xcf: {  	v1 =	vld [tilespmem:s13+$0xA1C0];
	_ =	sdelay $0x4  }
0xd0: {  	v0 =	vadd.f32 v1, v0;
	_ =	sdelay $0x1  }
0xd1: {  	v0 =	vmul.f32 $3.125000000e-02, v0;
	_ =	sdelay $0x1  }
0xd2: {  	[tilespmem:s12+$0x40] =	vst v0  }
0xd3: {  	v0 =	vld [tilespmem:s13+$0xA0D0]  }
0xd4: {  	v1 =	vld [tilespmem:s13+$0xA1D0];
	_ =	sdelay $0x4  }
0xd5: {  	v0 =	vadd.f32 v1, v0;
	_ =	sdelay $0x1  }
0xd6: {  	v0 =	vmul.f32 $3.125000000e-02, v0;
	_ =	sdelay $0x1  }
0xd7: {  	[tilespmem:s12+$0x50] =	vst v0  }
0xd8: {  	v0 =	vld [tilespmem:s13+$0xA0E0]  }
0xd9: {  	s15 =	simm.s32 $0x1;
	s14 =	simm.s32 $0xAA80;
	v1 =	vld [tilespmem:s13+$0xA1E0]  }
.LBB2_7:
0xda: {  	_ =	sdelay $0x1  }
0xdb: {  	p0 =	sne.s32 s15, $0x7  }
0xdc: {  	s12 =	sadd.s32 $0x100, s12;
	s16 =	smov.u32 s15;
	s15 =	sadd.s32 $0x1, s15  }
0xdd: {  	v0 =	vadd.f32 v1, v0;
	_ =	sdelay $0x1  }
0xde: {  	v0 =	vmul.f32 $3.125000000e-02, v0;
	_ =	sdelay $0x1  }
0xdf: {  	[tilespmem:s14+$0x60] =	vst v0  }
0xe0: {  	v0 =	vld [tilespmem:s13+$0xA0F0]  }
0xe1: {  	v1 =	vld [tilespmem:s13+$0xA1F0];
	_ =	sdelay $0x3  }
0xe2: {  	s13 =	sadd.s32 s16, s3  }
0xe3: {  	p1 =	sgt.u32 s13, $0x58;
	s13 =	simm.s32 $0x1;
	v0 =	vadd.f32 v1, v0  }
0xe4: {  	s16 =	sadd.s32 s16, s8;
	s13 =	simm.s32 @!p1 $0x0  }
0xe5: {  	s13 =	sadd.s32 s13, s16;
	v0 =	vmul.f32 $3.125000000e-02, v0  }
0xe6: {  	s13 =	sshll.u32 s13, $0xA  }
0xe7: {  	s13 =	sshra.s32 s13, $0x2;
	[tilespmem:s14+$0x70] =	vst v0;
	s14 =	smov.u32 s12  }
0xe8: {  	v0 =	vld [tilespmem:s13+$0xA000]  }
0xe9: {  	v1 =	vld [tilespmem:s13+$0xA100];
	_ =	sdelay $0x4  }
0xea: {  	v0 =	vadd.f32 v1, v0;
	_ =	sdelay $0x1  }
0xeb: {  	v0 =	vmul.f32 $3.125000000e-02, v0;
	_ =	sdelay $0x1  }
0xec: {  	[tilespmem:s12+$0xFFFFFF80] =	vst v0  }
0xed: {  	v0 =	vld [tilespmem:s13+$0xA010]  }
0xee: {  	v1 =	vld [tilespmem:s13+$0xA110];
	_ =	sdelay $0x4  }
0xef: {  	v0 =	vadd.f32 v1, v0;
	_ =	sdelay $0x1  }
0xf0: {  	v0 =	vmul.f32 $3.125000000e-02, v0;
	_ =	sdelay $0x1  }
0xf1: {  	[tilespmem:s12+$0xFFFFFF90] =	vst v0  }
0xf2: {  	v0 =	vld [tilespmem:s13+$0xA020]  }
0xf3: {  	v1 =	vld [tilespmem:s13+$0xA120];
	_ =	sdelay $0x4  }
0xf4: {  	v0 =	vadd.f32 v1, v0;
	_ =	sdelay $0x1  }
0xf5: {  	v0 =	vmul.f32 $3.125000000e-02, v0;
	_ =	sdelay $0x1  }
0xf6: {  	[tilespmem:s12+$0xFFFFFFA0] =	vst v0  }
0xf7: {  	v0 =	vld [tilespmem:s13+$0xA030]  }
0xf8: {  	v1 =	vld [tilespmem:s13+$0xA130];
	_ =	sdelay $0x4  }
0xf9: {  	v0 =	vadd.f32 v1, v0;
	_ =	sdelay $0x1  }
0xfa: {  	v0 =	vmul.f32 $3.125000000e-02, v0;
	_ =	sdelay $0x1  }
0xfb: {  	[tilespmem:s12+$0xFFFFFFB0] =	vst v0  }
0xfc: {  	v0 =	vld [tilespmem:s13+$0xA040]  }
0xfd: {  	v1 =	vld [tilespmem:s13+$0xA140];
	_ =	sdelay $0x4  }
0xfe: {  	v0 =	vadd.f32 v1, v0;
	_ =	sdelay $0x1  }
0xff: {  	v0 =	vmul.f32 $3.125000000e-02, v0;
	_ =	sdelay $0x1  }
0x100: {  	[tilespmem:s12+$0xFFFFFFC0] =	vst v0  }
0x101: {  	v0 =	vld [tilespmem:s13+$0xA050]  }
0x102: {  	v1 =	vld [tilespmem:s13+$0xA150];
	_ =	sdelay $0x4  }
0x103: {  	v0 =	vadd.f32 v1, v0;
	_ =	sdelay $0x1  }
0x104: {  	v0 =	vmul.f32 $3.125000000e-02, v0;
	_ =	sdelay $0x1  }
0x105: {  	[tilespmem:s12+$0xFFFFFFD0] =	vst v0  }
0x106: {  	v0 =	vld [tilespmem:s13+$0xA060]  }
0x107: {  	v1 =	vld [tilespmem:s13+$0xA160];
	_ =	sdelay $0x4  }
0x108: {  	v0 =	vadd.f32 v1, v0;
	_ =	sdelay $0x1  }
0x109: {  	v0 =	vmul.f32 $3.125000000e-02, v0;
	_ =	sdelay $0x1  }
0x10a: {  	[tilespmem:s12+$0xFFFFFFE0] =	vst v0  }
0x10b: {  	v0 =	vld [tilespmem:s13+$0xA070]  }
0x10c: {  	v1 =	vld [tilespmem:s13+$0xA170];
	_ =	sdelay $0x4  }
0x10d: {  	v0 =	vadd.f32 v1, v0;
	_ =	sdelay $0x1  }
0x10e: {  	v0 =	vmul.f32 $3.125000000e-02, v0;
	_ =	sdelay $0x1  }
0x10f: {  	[tilespmem:s12+$0xFFFFFFF0] =	vst v0  }
0x110: {  	v0 =	vld [tilespmem:s13+$0xA080]  }
0x111: {  	v1 =	vld [tilespmem:s13+$0xA180];
	_ =	sdelay $0x4  }
0x112: {  	v0 =	vadd.f32 v1, v0;
	_ =	sdelay $0x1  }
0x113: {  	v0 =	vmul.f32 $3.125000000e-02, v0;
	_ =	sdelay $0x1  }
0x114: {  	[tilespmem:s12+$0x0] =	vst v0  }
0x115: {  	v0 =	vld [tilespmem:s13+$0xA090]  }
0x116: {  	v1 =	vld [tilespmem:s13+$0xA190];
	_ =	sdelay $0x4  }
0x117: {  	v0 =	vadd.f32 v1, v0;
	_ =	sdelay $0x1  }
0x118: {  	v0 =	vmul.f32 $3.125000000e-02, v0;
	_ =	sdelay $0x1  }
0x119: {  	[tilespmem:s12+$0x10] =	vst v0  }
0x11a: {  	v0 =	vld [tilespmem:s13+$0xA0A0]  }
0x11b: {  	v1 =	vld [tilespmem:s13+$0xA1A0];
	_ =	sdelay $0x4  }
0x11c: {  	v0 =	vadd.f32 v1, v0;
	_ =	sdelay $0x1  }
0x11d: {  	v0 =	vmul.f32 $3.125000000e-02, v0;
	_ =	sdelay $0x1  }
0x11e: {  	[tilespmem:s12+$0x20] =	vst v0  }
0x11f: {  	v0 =	vld [tilespmem:s13+$0xA0B0]  }
0x120: {  	v1 =	vld [tilespmem:s13+$0xA1B0];
	_ =	sdelay $0x4  }
0x121: {  	v0 =	vadd.f32 v1, v0;
	_ =	sdelay $0x1  }
0x122: {  	v0 =	vmul.f32 $3.125000000e-02, v0;
	_ =	sdelay $0x1  }
0x123: {  	[tilespmem:s12+$0x30] =	vst v0  }
0x124: {  	v0 =	vld [tilespmem:s13+$0xA0C0]  }
0x125: {  	v1 =	vld [tilespmem:s13+$0xA1C0];
	_ =	sdelay $0x4  }
0x126: {  	v0 =	vadd.f32 v1, v0;
	_ =	sdelay $0x1  }
0x127: {  	v0 =	vmul.f32 $3.125000000e-02, v0;
	_ =	sdelay $0x1  }
0x128: {  	[tilespmem:s12+$0x40] =	vst v0  }
0x129: {  	v0 =	vld [tilespmem:s13+$0xA0D0]  }
0x12a: {  	v1 =	vld [tilespmem:s13+$0xA1D0];
	_ =	sdelay $0x4  }
0x12b: {  	v0 =	vadd.f32 v1, v0;
	_ =	sdelay $0x1  }
.Ltmp3:
0x12c: {  	v0 =	vmul.f32 $3.125000000e-02, v0;
	(pc) =	sbr.rel @p0 .LBB2_7-.Ltmp3, $4  }
0x12d: {  	_ = 	snop  }
0x12e: {  	[tilespmem:s12+$0x50] =	vst v0  }
0x12f: {  	v0 =	vld [tilespmem:s13+$0xA0E0]  }
0x130: {  	v1 =	vld [tilespmem:s13+$0xA1E0]  }
0x131: {  	_ =	sdelay $0x3  }
0x132: {  	v0 =	vadd.f32 v1, v0;
	_ =	sdelay $0x1  }
0x133: {  	v0 =	vmul.f32 $3.125000000e-02, v0;
	_ =	sdelay $0x1  }
0x134: {  	[tilespmem:s14+$0x60] =	vst v0  }
0x135: {  	v0 =	vld [tilespmem:s13+$0xA0F0]  }
0x136: {  	v63 =	vld [tilespmem:s13+$0xA1F0];
	_ =	sdelay $0x4  }
0x137: {  	v0 =	vadd.f32 v63, v0;
	_ =	sdelay $0x1  }
0x138: {  	s11 =	sadd.s32 $0x1, s11;
	v0 =	vmul.f32 $3.125000000e-02, v0  }
0x139: {  	p0 =	sne.s32 s11, s7  }
.Ltmp4:
0x13a: {  	[tilespmem:s14+$0x70] =	vst v0;
	(pc) =	sbr.rel @p0 .LBB2_2-.Ltmp4, $4  }
0x13b: {  	[hbm4b:s4+s2] =	stream.linear.scatter [tilespmem:s9], [sflag:$0x2], $0x800, $0x38;
	[tilespmem:$0xB200] =	vst v63  }
0x13c: {  	_ =	swait.ge [sflag:s10], $0x800  }
0x13d: {  	[sflag:s10] =	ssyncset.done $0x0  }
0x13e: {  	[sflag:s10] =	ssyncadd.s32 $0xFFFFF800  }
.LBB2_9:
0x13f: {  	_ =	sfence.sel $0x180000  }
0x140: {  	[bflag:$0x0] =	sbarrier.arrive $0xFFFF  }
0x141: {  	p0 =	sne.s32 s0, $0x0;
	_ =	strace $0x90000047  }
0x142: {  	s0 =	sadd.s32 @!p0 $0x100000, s1;
	[bflag:$0x2] =	sbarrier.arrive $0xFFFF  }
0x143: {  	[sflag:s0] =	ssyncadd.tile.s32 @!p0 $0x1;
	_ =	shalt  }
.Lfunc_end2:
_tile_overlayer_lowered:
.L_overlay_start_2:
0x144: {  	(tag) =	ssettag $0x2  }
0x145: {  	s0 =	rddreg [dreg:$0x0];
	s2 =	stileid.u32  }
0x146: {  	s1 =	rddreg [dreg:$0x1];
	p0 =	sne.s32 s2, $0x0  }
0x147: {  	s3 =	rddreg [dreg:$0x2];
	[bflag:$0x3] =	sbarrier.arrive $0xFFFF;
	s2 =	simm.s32 @!p0 $0x1C02  }
0x148: {  	[timem:s3], [sflag:s2] =	dma.local @!p0 [hbm:s0], s1  }
0x149: {  	s0 =	simm.s32 @!p0 $0x2  }
0x14a: {  	_ =	swait.ge @!p0 [sflag:s0], s1  }
0x14b: {  	s1 =	ssub.s32 @!p0 $0x0, s1;
	[sflag:s0] =	ssyncset.done @!p0 $0x0  }
0x14c: {  	[sflag:s0] =	ssyncadd.s32 @!p0 s1  }
0x14d: {  	[bflag:$0x3] =	sbarrier.arrive $0xFFFF  }
0x14e: {  	_ =	shalt  }

</sc_bundles>
